<compile_context>
chip_gen: v7x
topology: tpu7x:2x2x1
jax: 0.10.2.dev20260603
libtpu: 0.0.44.dev20260713+nightly
codegen_flags: <defaults>
</compile_context>

<pallas_src>
import functools

import jax
import jax.numpy as jnp
from jax import lax
from jax.experimental import pallas as pl
from jax.experimental.pallas import tpu as pltpu
from jax.experimental.pallas import tpu_sc as plsc

NUM_EMBEDDINGS = 8192
EMBEDDING_DIM = 256
BETA = 0.25

N_TOKENS = 8192

TM = 1024
N_I = N_TOKENS // TM
HALF = NUM_EMBEDDINGS // 2


def _bf16_round(x):
    return x.astype(jnp.bfloat16).astype(jnp.float32)


def _half_argmin(zsq, dot, esq_ref, base):
    mval = jnp.full((TM, 128), jnp.inf, jnp.float32)
    mblk = jnp.zeros((TM, 128), jnp.float32)
    for b in range(HALF // 128):
        lo = base + b * 128
        dblk = (zsq - dot[:, lo:lo + 128]) + esq_ref[:, lo:lo + 128]
        cmp = dblk < mval
        mval = jnp.where(cmp, dblk, mval)
        mblk = jnp.where(cmp, jnp.float32(b), mblk)
    lane = lax.broadcasted_iota(jnp.int32, (TM, 128), 1).astype(jnp.float32)
    mcol = mblk * 128.0 + lane
    lmin = jnp.min(mval, axis=1, keepdims=True)
    larg_f = jnp.min(jnp.where(mval == lmin, mcol, jnp.float32(HALF)),
                     axis=1, keepdims=True)
    return lmin, larg_f.astype(jnp.int32) + base


def _argmin_body(zsq_ref, zb2_ref, emb_ref, esq_ref, idx_ref, loss_ref,
                 loss_acc):
    dot = lax.dot_general(zb2_ref[...], emb_ref[...],
                          (((1,), (1,)), ((), ())),
                          preferred_element_type=jnp.float32)
    zsq = zsq_ref[...]

    v0, a0 = _half_argmin(zsq, dot, esq_ref, 0)
    v1, a1 = _half_argmin(zsq, dot, esq_ref, HALF)

    r = _bf16_round(v0)
    u1 = v1 < r
    pick = jnp.where(u1, a1, a0)
    pickv = jnp.where(u1, v1, v0)

    idx_ref[...] = pick
    i = pl.program_id(0)
    part = jnp.sum(pickv)

    @pl.when(i == 0)
    def _():
        loss_acc[0] = part

    @pl.when(i > 0)
    def _():
        loss_acc[0] = loss_acc[0] + part

    @pl.when(i == N_I - 1)
    def _():
        loss_ref[...] = jnp.full((1, 1), loss_acc[0], jnp.float32)


def _dist_argmin(zsq, zb2, emb, esq):
    return pl.pallas_call(
        _argmin_body,
        grid=(N_I,),
        in_specs=[
            pl.BlockSpec((TM, 1), lambda i: (i, 0)),
            pl.BlockSpec((TM, EMBEDDING_DIM), lambda i: (i, 0)),
            pl.BlockSpec((NUM_EMBEDDINGS, EMBEDDING_DIM), lambda i: (0, 0)),
            pl.BlockSpec((1, NUM_EMBEDDINGS), lambda i: (0, 0)),
        ],
        out_specs=[
            pl.BlockSpec((TM, 1), lambda i: (i, 0)),
            pl.BlockSpec((1, 1), lambda i: (0, 0)),
        ],
        out_shape=[
            jax.ShapeDtypeStruct((N_TOKENS, 1), jnp.int32),
            jax.ShapeDtypeStruct((1, 1), jnp.float32),
        ],
        scratch_shapes=[
            pltpu.SMEM((1,), jnp.float32),
        ],
    )(zsq, zb2, emb, esq)


@functools.cache
def _make_sc_gather():
    info = plsc.get_sparse_core_info()
    nw = info.num_cores * info.num_subcores
    b_per_w = N_TOKENS // nw
    n_sub = b_per_w // 128
    mesh = plsc.VectorSubcoreMesh(core_axis_name="c", subcore_axis_name="s")

    @functools.partial(
        pl.kernel, mesh=mesh,
        out_type=jax.ShapeDtypeStruct((N_TOKENS, EMBEDDING_DIM), jnp.float32),
        scratch_types=[
            pltpu.VMEM((n_sub, 128), jnp.int32),
            pltpu.VMEM((b_per_w, EMBEDDING_DIM), jnp.float32),
            pltpu.SemaphoreType.DMA,
        ],
    )
    def gather(table_hbm, idx_hbm, out_hbm, idx_v, rows_v, sem):
        wid = lax.axis_index("s") * info.num_cores + lax.axis_index("c")
        base = wid * b_per_w
        for b in range(n_sub):
            pltpu.sync_copy(idx_hbm.at[pl.ds(base + b * 128, 128)], idx_v.at[b])
            pltpu.async_copy(table_hbm.at[idx_v.at[b]],
                             rows_v.at[pl.ds(b * 128, 128)], sem).wait()
        pltpu.sync_copy(rows_v, out_hbm.at[pl.ds(base, b_per_w)])

    return gather


def kernel(z, emb):
    B, C, H, W = z.shape
    z_flat = jnp.transpose(z, (0, 2, 3, 1)).reshape(-1, EMBEDDING_DIM)
    zb2 = (2.0 * z_flat).astype(jnp.bfloat16)
    zsq = jnp.sum(z_flat ** 2, axis=1, keepdims=True)
    esq = jnp.sum(emb ** 2, axis=1)[None, :]

    idx2d, loss_sum = _dist_argmin(zsq, zb2, emb, esq)
    idx = idx2d.reshape(-1)

    q_flat = _make_sc_gather()(emb, idx)

    quantized = jnp.transpose(q_flat.reshape(B, H, W, C), (0, 3, 1, 2))
    codebook_loss = loss_sum[0, 0] / jnp.float32(N_TOKENS * EMBEDDING_DIM)
    commitment_loss = BETA * codebook_loss
    quantized_straight_through = z + lax.stop_gradient(quantized - z)
    return (quantized_straight_through, commitment_loss, codebook_loss)

# --- scband reference (transcript-rebuilt; emitter-appended) ---
"""Pipeline reference for scband-vector-quantizer-87935160418745 (READ-ONLY COPY).

The authoritative reference and input builder live on the scoring server;
editing this copy changes nothing except your own understanding.
"""

import jax, jax.numpy as jnp
import numpy as np

NUM_EMBEDDINGS = 8192
EMBEDDING_DIM = 256
BETA = 0.25


def setup_inputs(seed: int = 0) -> dict:
    key = jax.random.key(seed)
    k1, k2 = jax.random.split(key)
    z = jax.random.normal(k1, (8, 256, 32, 32), dtype=jnp.float32)
    # embedding weight initialized uniform(-1/K, 1/K) as in the torch module
    emb = jax.random.uniform(k2, (NUM_EMBEDDINGS, EMBEDDING_DIM), dtype=jnp.float32,
                             minval=-1.0 / NUM_EMBEDDINGS, maxval=1.0 / NUM_EMBEDDINGS)
    return {"z": z, "emb": emb}


def reference(z, emb):
    # eval-mode forward (training-only EMA/usage-stat branches are no-ops)
    B, C, H, W = z.shape
    z_flat = jnp.transpose(z, (0, 2, 3, 1)).reshape(-1, EMBEDDING_DIM)
    dist = (jnp.sum(z_flat ** 2, axis=1, keepdims=True)
            - 2.0 * z_flat @ emb.T
            + jnp.sum(emb ** 2, axis=1))
    encoding_indices = jnp.argmin(dist, axis=1)
    quantized_embeddings = jnp.take(emb, encoding_indices, axis=0)
    quantized = jnp.transpose(quantized_embeddings.reshape(B, H, W, C), (0, 3, 1, 2))
    codebook_loss = jnp.mean((quantized_embeddings - jax.lax.stop_gradient(z_flat)) ** 2)
    commitment_loss = BETA * jnp.mean((z_flat - jax.lax.stop_gradient(quantized_embeddings)) ** 2)
    quantized_straight_through = z + jax.lax.stop_gradient(quantized - z)
    return (quantized_straight_through, commitment_loss, codebook_loss)

if __name__ == "__main__":
    import jax
    _d = setup_inputs()
    print(jax.jit(kernel)(*tuple(_d.values())))

</pallas_src>

<mosaic_0001>
#map = affine_map<(d0, d1) -> (0, 0)>
#map1 = affine_map<(d0, d1) -> (0)>
module attributes {stable_mosaic.version = 14 : i64} {
  func.func @gather(%arg0: i32, %arg1: i32, %arg2: memref<8192x256xf32, #tpu.memory_space<hbm>>, %arg3: memref<8192xi32, #tpu.memory_space<hbm>>, %arg4: memref<8192x256xf32, #tpu.memory_space<hbm>>, %arg5: memref<2x128xi32, #tpu.memory_space<vmem>>, %arg6: memref<256x256xf32, #tpu.memory_space<vmem>>, %arg7: memref<!tpu.dma_semaphore, #tpu.memory_space<semaphore_mem>>) attributes {dimension_semantics = [#tpu.dimension_semantics<core_parallel>, #tpu.dimension_semantics<subcore_parallel>], iteration_bounds = array<i64: 2, 16>, scalar_prefetch = 0 : i64, scratch_operands = 3 : i64, tpu.core_type = #tpu.core_type<sc_vector_subcore>, window_params = [{transform_indices = #map}, {transform_indices = #map1}, {transform_indices = #map}]} {
    %mul3A = arith.constant 2 : i32
    %mul3A_0 = arith.muli %arg1, %mul3A : i32
    %add3A = arith.addi %mul3A_0, %arg0 : i32
    %mul3A_1 = arith.constant 256 : i32
    %mul3A_2 = arith.muli %add3A, %mul3A_1 : i32
    %add3A_3 = arith.constant 0 : i32
    %add3A_4 = arith.addi %mul3A_2, %add3A_3 : i32
    %run_scoped3A = arith.constant 0 : i32
    "tpu.region"() ({
      %run_scoped3A_46 = tpu.sem_alloc : memref<!tpu.dma_semaphore, #tpu.memory_space<semaphore_mem>>
      %dma_start3A_47 = arith.constant 0 : i32
      %dma_start3A_48 = tpu.memref_slice %arg5[%run_scoped3A, %dma_start3A_47] : memref<2x128xi32, #tpu.memory_space<vmem>> -> memref<1x128xi32, #tpu.memory_space<vmem>>
      %dma_start3A_49 = tpu.memref_squeeze %dma_start3A_48 : memref<1x128xi32, #tpu.memory_space<vmem>> -> memref<128xi32, #tpu.memory_space<vmem>>
      %dma_start3A_50 = tpu.memref_slice %arg3[%add3A_4] : memref<8192xi32, #tpu.memory_space<hbm>> -> memref<128xi32, #tpu.memory_space<hbm>>
      %dma_start3A_51 = arith.constant 0 : i32
      %dma_start3A_52 = tpu.memref_slice %arg5[%run_scoped3A, %dma_start3A_51] : memref<2x128xi32, #tpu.memory_space<vmem>> -> memref<1x128xi32, #tpu.memory_space<vmem>>
      %dma_start3A_53 = tpu.memref_squeeze %dma_start3A_52 : memref<1x128xi32, #tpu.memory_space<vmem>> -> memref<128xi32, #tpu.memory_space<vmem>>
      %dma_start3A_54 = tpu.memref_slice %arg3[%add3A_4] : memref<8192xi32, #tpu.memory_space<hbm>> -> memref<128xi32, #tpu.memory_space<hbm>>
      tpu.enqueue_dma source(%dma_start3A_54 : memref<128xi32, #tpu.memory_space<hbm>>) target(%dma_start3A_53 : memref<128xi32, #tpu.memory_space<vmem>>) target_semaphore(%run_scoped3A_46 : memref<!tpu.dma_semaphore, #tpu.memory_space<semaphore_mem>>)
      %dma_wait3A_55 = arith.constant 0 : i32
      %dma_wait3A_56 = tpu.memref_slice %arg5[%run_scoped3A, %dma_wait3A_55] : memref<2x128xi32, #tpu.memory_space<vmem>> -> memref<1x128xi32, #tpu.memory_space<vmem>>
      %dma_wait3A_57 = tpu.memref_squeeze %dma_wait3A_56 : memref<1x128xi32, #tpu.memory_space<vmem>> -> memref<128xi32, #tpu.memory_space<vmem>>
      %dma_wait3A_58 = tpu.memref_slice %arg3[%add3A_4] : memref<8192xi32, #tpu.memory_space<hbm>> -> memref<128xi32, #tpu.memory_space<hbm>>
      %dma_wait3A_59 = arith.constant 0 : i32
      %dma_wait3A_60 = tpu.memref_slice %arg5[%run_scoped3A, %dma_wait3A_59] : memref<2x128xi32, #tpu.memory_space<vmem>> -> memref<1x128xi32, #tpu.memory_space<vmem>>
      %dma_wait3A_61 = tpu.memref_squeeze %dma_wait3A_60 : memref<1x128xi32, #tpu.memory_space<vmem>> -> memref<128xi32, #tpu.memory_space<vmem>>
      %dma_wait3A_62 = tpu.memref_slice %arg3[%add3A_4] : memref<8192xi32, #tpu.memory_space<hbm>> -> memref<128xi32, #tpu.memory_space<hbm>>
      tpu.wait_dma2 semaphore(%run_scoped3A_46 : memref<!tpu.dma_semaphore, #tpu.memory_space<semaphore_mem>>) src(%dma_wait3A_62 : memref<128xi32, #tpu.memory_space<hbm>>) dst(%dma_wait3A_61 : memref<128xi32, #tpu.memory_space<vmem>>)
      tpu.yield
    }) : () -> ()
    %dma_start3A = arith.constant 0 : i32
    %dma_start3A_5 = arith.constant 0 : i32
    %dma_start3A_6 = arith.constant 0 : i32
    %dma_start3A_7 = tpu.memref_slice %arg6[%dma_start3A_5, %dma_start3A_6] : memref<256x256xf32, #tpu.memory_space<vmem>> -> memref<128x256xf32, #tpu.memory_space<vmem>>
    %dma_start3A_8 = arith.constant 0 : i32
    %dma_start3A_9 = tpu.memref_slice %arg5[%dma_start3A, %dma_start3A_8] : memref<2x128xi32, #tpu.memory_space<vmem>> -> memref<1x128xi32, #tpu.memory_space<vmem>>
    %dma_start3A_10 = tpu.memref_squeeze %dma_start3A_9 : memref<1x128xi32, #tpu.memory_space<vmem>> -> memref<128xi32, #tpu.memory_space<vmem>>
    %dma_start3A_11 = arith.constant 0 : i32
    %dma_start3A_12 = arith.constant 0 : i32
    %dma_start3A_13 = tpu.memref_slice %arg2[%dma_start3A_11, %dma_start3A_12] : memref<8192x256xf32, #tpu.memory_space<hbm>> -> memref<8192x256xf32, #tpu.memory_space<hbm>>
    tpu.enqueue_indirect_dma source(%dma_start3A_13 : memref<8192x256xf32, #tpu.memory_space<hbm>>) target(%dma_start3A_7 : memref<128x256xf32, #tpu.memory_space<vmem>>) offsets(%dma_start3A_10 : memref<128xi32, #tpu.memory_space<vmem>>) semaphore(%arg7 : memref<!tpu.dma_semaphore, #tpu.memory_space<semaphore_mem>>)
    %dma_wait3A = arith.constant 0 : i32
    %dma_wait3A_14 = arith.constant 0 : i32
    %dma_wait3A_15 = arith.constant 0 : i32
    %dma_wait3A_16 = tpu.memref_slice %arg6[%dma_wait3A_14, %dma_wait3A_15] : memref<256x256xf32, #tpu.memory_space<vmem>> -> memref<128x256xf32, #tpu.memory_space<vmem>>
    %dma_wait3A_17 = arith.constant 0 : i32
    %dma_wait3A_18 = tpu.memref_slice %arg5[%dma_wait3A, %dma_wait3A_17] : memref<2x128xi32, #tpu.memory_space<vmem>> -> memref<1x128xi32, #tpu.memory_space<vmem>>
    %dma_wait3A_19 = tpu.memref_squeeze %dma_wait3A_18 : memref<1x128xi32, #tpu.memory_space<vmem>> -> memref<128xi32, #tpu.memory_space<vmem>>
    %dma_wait3A_20 = arith.constant 0 : i32
    %dma_wait3A_21 = arith.constant 0 : i32
    %dma_wait3A_22 = tpu.memref_slice %arg2[%dma_wait3A_20, %dma_wait3A_21] : memref<8192x256xf32, #tpu.memory_space<hbm>> -> memref<8192x256xf32, #tpu.memory_space<hbm>>
    tpu.wait_indirect_dma semaphore(%arg7 : memref<!tpu.dma_semaphore, #tpu.memory_space<semaphore_mem>>) src(%dma_wait3A_22 : memref<8192x256xf32, #tpu.memory_space<hbm>>) dst(%dma_wait3A_16 : memref<128x256xf32, #tpu.memory_space<vmem>>)
    %add3A_23 = arith.constant 128 : i32
    %add3A_24 = arith.addi %mul3A_2, %add3A_23 : i32
    %run_scoped3A_25 = arith.constant 1 : i32
    "tpu.region"() ({
      %run_scoped3A_46 = tpu.sem_alloc : memref<!tpu.dma_semaphore, #tpu.memory_space<semaphore_mem>>
      %dma_start3A_47 = arith.constant 0 : i32
      %dma_start3A_48 = tpu.memref_slice %arg5[%run_scoped3A_25, %dma_start3A_47] : memref<2x128xi32, #tpu.memory_space<vmem>> -> memref<1x128xi32, #tpu.memory_space<vmem>>
      %dma_start3A_49 = tpu.memref_squeeze %dma_start3A_48 : memref<1x128xi32, #tpu.memory_space<vmem>> -> memref<128xi32, #tpu.memory_space<vmem>>
      %dma_start3A_50 = tpu.memref_slice %arg3[%add3A_24] : memref<8192xi32, #tpu.memory_space<hbm>> -> memref<128xi32, #tpu.memory_space<hbm>>
      %dma_start3A_51 = arith.constant 0 : i32
      %dma_start3A_52 = tpu.memref_slice %arg5[%run_scoped3A_25, %dma_start3A_51] : memref<2x128xi32, #tpu.memory_space<vmem>> -> memref<1x128xi32, #tpu.memory_space<vmem>>
      %dma_start3A_53 = tpu.memref_squeeze %dma_start3A_52 : memref<1x128xi32, #tpu.memory_space<vmem>> -> memref<128xi32, #tpu.memory_space<vmem>>
      %dma_start3A_54 = tpu.memref_slice %arg3[%add3A_24] : memref<8192xi32, #tpu.memory_space<hbm>> -> memref<128xi32, #tpu.memory_space<hbm>>
      tpu.enqueue_dma source(%dma_start3A_54 : memref<128xi32, #tpu.memory_space<hbm>>) target(%dma_start3A_53 : memref<128xi32, #tpu.memory_space<vmem>>) target_semaphore(%run_scoped3A_46 : memref<!tpu.dma_semaphore, #tpu.memory_space<semaphore_mem>>)
      %dma_wait3A_55 = arith.constant 0 : i32
      %dma_wait3A_56 = tpu.memref_slice %arg5[%run_scoped3A_25, %dma_wait3A_55] : memref<2x128xi32, #tpu.memory_space<vmem>> -> memref<1x128xi32, #tpu.memory_space<vmem>>
      %dma_wait3A_57 = tpu.memref_squeeze %dma_wait3A_56 : memref<1x128xi32, #tpu.memory_space<vmem>> -> memref<128xi32, #tpu.memory_space<vmem>>
      %dma_wait3A_58 = tpu.memref_slice %arg3[%add3A_24] : memref<8192xi32, #tpu.memory_space<hbm>> -> memref<128xi32, #tpu.memory_space<hbm>>
      %dma_wait3A_59 = arith.constant 0 : i32
      %dma_wait3A_60 = tpu.memref_slice %arg5[%run_scoped3A_25, %dma_wait3A_59] : memref<2x128xi32, #tpu.memory_space<vmem>> -> memref<1x128xi32, #tpu.memory_space<vmem>>
      %dma_wait3A_61 = tpu.memref_squeeze %dma_wait3A_60 : memref<1x128xi32, #tpu.memory_space<vmem>> -> memref<128xi32, #tpu.memory_space<vmem>>
      %dma_wait3A_62 = tpu.memref_slice %arg3[%add3A_24] : memref<8192xi32, #tpu.memory_space<hbm>> -> memref<128xi32, #tpu.memory_space<hbm>>
      tpu.wait_dma2 semaphore(%run_scoped3A_46 : memref<!tpu.dma_semaphore, #tpu.memory_space<semaphore_mem>>) src(%dma_wait3A_62 : memref<128xi32, #tpu.memory_space<hbm>>) dst(%dma_wait3A_61 : memref<128xi32, #tpu.memory_space<vmem>>)
      tpu.yield
    }) : () -> ()
    %dma_start3A_26 = arith.constant 1 : i32
    %dma_start3A_27 = arith.constant 128 : i32
    %dma_start3A_28 = arith.constant 0 : i32
    %dma_start3A_29 = tpu.memref_slice %arg6[%dma_start3A_27, %dma_start3A_28] : memref<256x256xf32, #tpu.memory_space<vmem>> -> memref<128x256xf32, #tpu.memory_space<vmem>>
    %dma_start3A_30 = arith.constant 0 : i32
    %dma_start3A_31 = tpu.memref_slice %arg5[%dma_start3A_26, %dma_start3A_30] : memref<2x128xi32, #tpu.memory_space<vmem>> -> memref<1x128xi32, #tpu.memory_space<vmem>>
    %dma_start3A_32 = tpu.memref_squeeze %dma_start3A_31 : memref<1x128xi32, #tpu.memory_space<vmem>> -> memref<128xi32, #tpu.memory_space<vmem>>
    %dma_start3A_33 = arith.constant 0 : i32
    %dma_start3A_34 = arith.constant 0 : i32
    %dma_start3A_35 = tpu.memref_slice %arg2[%dma_start3A_33, %dma_start3A_34] : memref<8192x256xf32, #tpu.memory_space<hbm>> -> memref<8192x256xf32, #tpu.memory_space<hbm>>
    tpu.enqueue_indirect_dma source(%dma_start3A_35 : memref<8192x256xf32, #tpu.memory_space<hbm>>) target(%dma_start3A_29 : memref<128x256xf32, #tpu.memory_space<vmem>>) offsets(%dma_start3A_32 : memref<128xi32, #tpu.memory_space<vmem>>) semaphore(%arg7 : memref<!tpu.dma_semaphore, #tpu.memory_space<semaphore_mem>>)
    %dma_wait3A_36 = arith.constant 1 : i32
    %dma_wait3A_37 = arith.constant 128 : i32
    %dma_wait3A_38 = arith.constant 0 : i32
    %dma_wait3A_39 = tpu.memref_slice %arg6[%dma_wait3A_37, %dma_wait3A_38] : memref<256x256xf32, #tpu.memory_space<vmem>> -> memref<128x256xf32, #tpu.memory_space<vmem>>
    %dma_wait3A_40 = arith.constant 0 : i32
    %dma_wait3A_41 = tpu.memref_slice %arg5[%dma_wait3A_36, %dma_wait3A_40] : memref<2x128xi32, #tpu.memory_space<vmem>> -> memref<1x128xi32, #tpu.memory_space<vmem>>
    %dma_wait3A_42 = tpu.memref_squeeze %dma_wait3A_41 : memref<1x128xi32, #tpu.memory_space<vmem>> -> memref<128xi32, #tpu.memory_space<vmem>>
    %dma_wait3A_43 = arith.constant 0 : i32
    %dma_wait3A_44 = arith.constant 0 : i32
    %dma_wait3A_45 = tpu.memref_slice %arg2[%dma_wait3A_43, %dma_wait3A_44] : memref<8192x256xf32, #tpu.memory_space<hbm>> -> memref<8192x256xf32, #tpu.memory_space<hbm>>
    tpu.wait_indirect_dma semaphore(%arg7 : memref<!tpu.dma_semaphore, #tpu.memory_space<semaphore_mem>>) src(%dma_wait3A_45 : memref<8192x256xf32, #tpu.memory_space<hbm>>) dst(%dma_wait3A_39 : memref<128x256xf32, #tpu.memory_space<vmem>>)
    "tpu.region"() ({
      %run_scoped3A_46 = tpu.sem_alloc : memref<!tpu.dma_semaphore, #tpu.memory_space<semaphore_mem>>
      %dma_start3A_47 = arith.constant 0 : i32
      %dma_start3A_48 = tpu.memref_slice %arg4[%mul3A_2, %dma_start3A_47] : memref<8192x256xf32, #tpu.memory_space<hbm>> -> memref<256x256xf32, #tpu.memory_space<hbm>>
      %dma_start3A_49 = arith.constant 0 : i32
      %dma_start3A_50 = tpu.memref_slice %arg4[%mul3A_2, %dma_start3A_49] : memref<8192x256xf32, #tpu.memory_space<hbm>> -> memref<256x256xf32, #tpu.memory_space<hbm>>
      tpu.enqueue_dma source(%arg6 : memref<256x256xf32, #tpu.memory_space<vmem>>) target(%dma_start3A_50 : memref<256x256xf32, #tpu.memory_space<hbm>>) target_semaphore(%run_scoped3A_46 : memref<!tpu.dma_semaphore, #tpu.memory_space<semaphore_mem>>)
      %dma_wait3A_51 = arith.constant 0 : i32
      %dma_wait3A_52 = tpu.memref_slice %arg4[%mul3A_2, %dma_wait3A_51] : memref<8192x256xf32, #tpu.memory_space<hbm>> -> memref<256x256xf32, #tpu.memory_space<hbm>>
      %dma_wait3A_53 = arith.constant 0 : i32
      %dma_wait3A_54 = tpu.memref_slice %arg4[%mul3A_2, %dma_wait3A_53] : memref<8192x256xf32, #tpu.memory_space<hbm>> -> memref<256x256xf32, #tpu.memory_space<hbm>>
      tpu.wait_dma2 semaphore(%run_scoped3A_46 : memref<!tpu.dma_semaphore, #tpu.memory_space<semaphore_mem>>) src(%arg6 : memref<256x256xf32, #tpu.memory_space<vmem>>) dst(%dma_wait3A_54 : memref<256x256xf32, #tpu.memory_space<hbm>>)
      tpu.yield
    }) : () -> ()
    return
  }
}

module attributes {stable_mosaic.version = 14 : i64} {
  func.func @_argmin_body(%arg0: i32, %arg1: memref<1024x1xf32, #tpu.memory_space<vmem>>, %arg2: memref<1024x256xbf16, #tpu.memory_space<vmem>>, %arg3: memref<8192x256xf32, #tpu.memory_space<vmem>>, %arg4: memref<1x8192xf32, #tpu.memory_space<vmem>>, %arg5: memref<1024x1xi32, #tpu.memory_space<vmem>>, %arg6: memref<1x1xf32, #tpu.memory_space<vmem>>, %arg7: memref<1xf32, #tpu.memory_space<smem>>) attributes {dimension_semantics = [#tpu.dimension_semantics<arbitrary>], iteration_bounds = array<i64: 8>, scalar_prefetch = 0 : i64, scratch_operands = 1 : i64, tpu.core_type = #tpu.core_type<tc>, window_params = [{transform_indices = @transform_0, window_bounds = array<i64: 1024, 1>}, {transform_indices = @transform_1, window_bounds = array<i64: 1024, 256>}, {pipeline_mode = #tpu.pipeline_mode<synchronous>, transform_indices = @transform_2, window_bounds = array<i64: 8192, 256>}, {pipeline_mode = #tpu.pipeline_mode<synchronous>, transform_indices = @transform_3, window_bounds = array<i64: 1, 8192>}, {transform_indices = @transform_4, window_bounds = array<i64: 1024, 1>}, {pipeline_mode = #tpu.pipeline_mode<synchronous>, transform_indices = @transform_5, window_bounds = array<i64: 1, 1>}]} {
    %get3A = arith.constant 0 : index
    %get3A_0 = arith.constant 0 : index
    %get3A_1 = vector.load %arg2[%get3A, %get3A_0] : memref<1024x256xbf16, #tpu.memory_space<vmem>>, vector<1024x256xbf16>
    %get3A_2 = arith.constant 0 : index
    %get3A_3 = arith.constant 0 : index
    %get3A_4 = vector.load %arg3[%get3A_2, %get3A_3] : memref<8192x256xf32, #tpu.memory_space<vmem>>, vector<8192x256xf32>
    %dot_general3A = arith.constant dense<0.000000e+00> : vector<1024x8192xf32>
    %dot_general3A_5 = tpu.matmul %get3A_1, %get3A_4, %dot_general3A {dimension_numbers = #tpu.dot_dimension_numbers<[1], [1], [0], [0], [0, 0, 1, 0], [], []>, transpose_lhs_hint = false} : vector<1024x256xbf16>, vector<8192x256xf32>, vector<1024x8192xf32> -> vector<1024x8192xf32>
    %get3A_6 = arith.constant 0 : index
    %get3A_7 = arith.constant 0 : index
    %get3A_8 = vector.load %arg1[%get3A_6, %get3A_7] : memref<1024x1xf32, #tpu.memory_space<vmem>>, vector<1024x1xf32>
    %broadcast_in_dim3A = arith.constant 0x7F800000 : f32
    %broadcast_in_dim3A_9 = vector.broadcast %broadcast_in_dim3A : f32 to vector<1024x128xf32>
    %broadcast_in_dim3A_10 = arith.constant 0.000000e+00 : f32
    %broadcast_in_dim3A_11 = vector.broadcast %broadcast_in_dim3A_10 : f32 to vector<1024x128xf32>
    %slice3A = vector.extract_strided_slice %dot_general3A_5 {offsets = [0, 0], sizes = [1024, 128], strides = [1, 1]} : vector<1024x8192xf32> to vector<1024x128xf32>
    %sub3A = vector.broadcast %get3A_8 : vector<1024x1xf32> to vector<1024x128xf32>
    %sub3A_12 = arith.subf %sub3A, %slice3A : vector<1024x128xf32>
    %get3A_13 = arith.constant 0 : index
    %get3A_14 = arith.constant 0 : index
    %get3A_15 = vector.load %arg4[%get3A_13, %get3A_14] : memref<1x8192xf32, #tpu.memory_space<vmem>>, vector<1x128xf32>
    %add3A = vector.broadcast %get3A_15 : vector<1x128xf32> to vector<1024x128xf32>
    %add3A_16 = arith.addf %sub3A_12, %add3A : vector<1024x128xf32>
    %lt3A = arith.cmpf olt, %add3A_16, %broadcast_in_dim3A_9 : vector<1024x128xf32>
    %select_n3A = arith.select %lt3A, %add3A_16, %broadcast_in_dim3A_9 : vector<1024x128xi1>, vector<1024x128xf32>
    %jit3A = arith.constant 0.000000e+00 : f32
    %broadcast_in_dim3A_17 = vector.broadcast %jit3A : f32 to vector<1024x128xf32>
    %select_n3A_18 = arith.select %lt3A, %broadcast_in_dim3A_17, %broadcast_in_dim3A_11 : vector<1024x128xi1>, vector<1024x128xf32>
    %slice3A_19 = vector.extract_strided_slice %dot_general3A_5 {offsets = [0, 128], sizes = [1024, 128], strides = [1, 1]} : vector<1024x8192xf32> to vector<1024x128xf32>
    %sub3A_20 = vector.broadcast %get3A_8 : vector<1024x1xf32> to vector<1024x128xf32>
    %sub3A_21 = arith.subf %sub3A_20, %slice3A_19 : vector<1024x128xf32>
    %get3A_22 = arith.constant 0 : index
    %get3A_23 = arith.constant 128 : index
    %get3A_24 = vector.load %arg4[%get3A_22, %get3A_23] : memref<1x8192xf32, #tpu.memory_space<vmem>>, vector<1x128xf32>
    %add3A_25 = vector.broadcast %get3A_24 : vector<1x128xf32> to vector<1024x128xf32>
    %add3A_26 = arith.addf %sub3A_21, %add3A_25 : vector<1024x128xf32>
    %lt3A_27 = arith.cmpf olt, %add3A_26, %select_n3A : vector<1024x128xf32>
    %select_n3A_28 = arith.select %lt3A_27, %add3A_26, %select_n3A : vector<1024x128xi1>, vector<1024x128xf32>
    %jit3A_29 = arith.constant 1.000000e+00 : f32
    %broadcast_in_dim3A_30 = vector.broadcast %jit3A_29 : f32 to vector<1024x128xf32>
    %select_n3A_31 = arith.select %lt3A_27, %broadcast_in_dim3A_30, %select_n3A_18 : vector<1024x128xi1>, vector<1024x128xf32>
    %slice3A_32 = vector.extract_strided_slice %dot_general3A_5 {offsets = [0, 256], sizes = [1024, 128], strides = [1, 1]} : vector<1024x8192xf32> to vector<1024x128xf32>
    %sub3A_33 = vector.broadcast %get3A_8 : vector<1024x1xf32> to vector<1024x128xf32>
    %sub3A_34 = arith.subf %sub3A_33, %slice3A_32 : vector<1024x128xf32>
    %get3A_35 = arith.constant 0 : index
    %get3A_36 = arith.constant 256 : index
    %get3A_37 = vector.load %arg4[%get3A_35, %get3A_36] : memref<1x8192xf32, #tpu.memory_space<vmem>>, vector<1x128xf32>
    %add3A_38 = vector.broadcast %get3A_37 : vector<1x128xf32> to vector<1024x128xf32>
    %add3A_39 = arith.addf %sub3A_34, %add3A_38 : vector<1024x128xf32>
    %lt3A_40 = arith.cmpf olt, %add3A_39, %select_n3A_28 : vector<1024x128xf32>
    %select_n3A_41 = arith.select %lt3A_40, %add3A_39, %select_n3A_28 : vector<1024x128xi1>, vector<1024x128xf32>
    %jit3A_42 = arith.constant 2.000000e+00 : f32
    %broadcast_in_dim3A_43 = vector.broadcast %jit3A_42 : f32 to vector<1024x128xf32>
    %select_n3A_44 = arith.select %lt3A_40, %broadcast_in_dim3A_43, %select_n3A_31 : vector<1024x128xi1>, vector<1024x128xf32>
    %slice3A_45 = vector.extract_strided_slice %dot_general3A_5 {offsets = [0, 384], sizes = [1024, 128], strides = [1, 1]} : vector<1024x8192xf32> to vector<1024x128xf32>
    %sub3A_46 = vector.broadcast %get3A_8 : vector<1024x1xf32> to vector<1024x128xf32>
    %sub3A_47 = arith.subf %sub3A_46, %slice3A_45 : vector<1024x128xf32>
    %get3A_48 = arith.constant 0 : index
    %get3A_49 = arith.constant 384 : index
    %get3A_50 = vector.load %arg4[%get3A_48, %get3A_49] : memref<1x8192xf32, #tpu.memory_space<vmem>>, vector<1x128xf32>
    %add3A_51 = vector.broadcast %get3A_50 : vector<1x128xf32> to vector<1024x128xf32>
    %add3A_52 = arith.addf %sub3A_47, %add3A_51 : vector<1024x128xf32>
    %lt3A_53 = arith.cmpf olt, %add3A_52, %select_n3A_41 : vector<1024x128xf32>
    %select_n3A_54 = arith.select %lt3A_53, %add3A_52, %select_n3A_41 : vector<1024x128xi1>, vector<1024x128xf32>
    %jit3A_55 = arith.constant 3.000000e+00 : f32
    %broadcast_in_dim3A_56 = vector.broadcast %jit3A_55 : f32 to vector<1024x128xf32>
    %select_n3A_57 = arith.select %lt3A_53, %broadcast_in_dim3A_56, %select_n3A_44 : vector<1024x128xi1>, vector<1024x128xf32>
    %slice3A_58 = vector.extract_strided_slice %dot_general3A_5 {offsets = [0, 512], sizes = [1024, 128], strides = [1, 1]} : vector<1024x8192xf32> to vector<1024x128xf32>
    %sub3A_59 = vector.broadcast %get3A_8 : vector<1024x1xf32> to vector<1024x128xf32>
    %sub3A_60 = arith.subf %sub3A_59, %slice3A_58 : vector<1024x128xf32>
    %get3A_61 = arith.constant 0 : index
    %get3A_62 = arith.constant 512 : index
    %get3A_63 = vector.load %arg4[%get3A_61, %get3A_62] : memref<1x8192xf32, #tpu.memory_space<vmem>>, vector<1x128xf32>
    %add3A_64 = vector.broadcast %get3A_63 : vector<1x128xf32> to vector<1024x128xf32>
    %add3A_65 = arith.addf %sub3A_60, %add3A_64 : vector<1024x128xf32>
    %lt3A_66 = arith.cmpf olt, %add3A_65, %select_n3A_54 : vector<1024x128xf32>
    %select_n3A_67 = arith.select %lt3A_66, %add3A_65, %select_n3A_54 : vector<1024x128xi1>, vector<1024x128xf32>
    %jit3A_68 = arith.constant 4.000000e+00 : f32
    %broadcast_in_dim3A_69 = vector.broadcast %jit3A_68 : f32 to vector<1024x128xf32>
    %select_n3A_70 = arith.select %lt3A_66, %broadcast_in_dim3A_69, %select_n3A_57 : vector<1024x128xi1>, vector<1024x128xf32>
    %slice3A_71 = vector.extract_strided_slice %dot_general3A_5 {offsets = [0, 640], sizes = [1024, 128], strides = [1, 1]} : vector<1024x8192xf32> to vector<1024x128xf32>
    %sub3A_72 = vector.broadcast %get3A_8 : vector<1024x1xf32> to vector<1024x128xf32>
    %sub3A_73 = arith.subf %sub3A_72, %slice3A_71 : vector<1024x128xf32>
    %get3A_74 = arith.constant 0 : index
    %get3A_75 = arith.constant 640 : index
    %get3A_76 = vector.load %arg4[%get3A_74, %get3A_75] : memref<1x8192xf32, #tpu.memory_space<vmem>>, vector<1x128xf32>
    %add3A_77 = vector.broadcast %get3A_76 : vector<1x128xf32> to vector<1024x128xf32>
    %add3A_78 = arith.addf %sub3A_73, %add3A_77 : vector<1024x128xf32>
    %lt3A_79 = arith.cmpf olt, %add3A_78, %select_n3A_67 : vector<1024x128xf32>
    %select_n3A_80 = arith.select %lt3A_79, %add3A_78, %select_n3A_67 : vector<1024x128xi1>, vector<1024x128xf32>
    %jit3A_81 = arith.constant 5.000000e+00 : f32
    %broadcast_in_dim3A_82 = vector.broadcast %jit3A_81 : f32 to vector<1024x128xf32>
    %select_n3A_83 = arith.select %lt3A_79, %broadcast_in_dim3A_82, %select_n3A_70 : vector<1024x128xi1>, vector<1024x128xf32>
    %slice3A_84 = vector.extract_strided_slice %dot_general3A_5 {offsets = [0, 768], sizes = [1024, 128], strides = [1, 1]} : vector<1024x8192xf32> to vector<1024x128xf32>
    %sub3A_85 = vector.broadcast %get3A_8 : vector<1024x1xf32> to vector<1024x128xf32>
    %sub3A_86 = arith.subf %sub3A_85, %slice3A_84 : vector<1024x128xf32>
    %get3A_87 = arith.constant 0 : index
    %get3A_88 = arith.constant 768 : index
    %get3A_89 = vector.load %arg4[%get3A_87, %get3A_88] : memref<1x8192xf32, #tpu.memory_space<vmem>>, vector<1x128xf32>
    %add3A_90 = vector.broadcast %get3A_89 : vector<1x128xf32> to vector<1024x128xf32>
    %add3A_91 = arith.addf %sub3A_86, %add3A_90 : vector<1024x128xf32>
    %lt3A_92 = arith.cmpf olt, %add3A_91, %select_n3A_80 : vector<1024x128xf32>
    %select_n3A_93 = arith.select %lt3A_92, %add3A_91, %select_n3A_80 : vector<1024x128xi1>, vector<1024x128xf32>
    %jit3A_94 = arith.constant 6.000000e+00 : f32
    %broadcast_in_dim3A_95 = vector.broadcast %jit3A_94 : f32 to vector<1024x128xf32>
    %select_n3A_96 = arith.select %lt3A_92, %broadcast_in_dim3A_95, %select_n3A_83 : vector<1024x128xi1>, vector<1024x128xf32>
    %slice3A_97 = vector.extract_strided_slice %dot_general3A_5 {offsets = [0, 896], sizes = [1024, 128], strides = [1, 1]} : vector<1024x8192xf32> to vector<1024x128xf32>
    %sub3A_98 = vector.broadcast %get3A_8 : vector<1024x1xf32> to vector<1024x128xf32>
    %sub3A_99 = arith.subf %sub3A_98, %slice3A_97 : vector<1024x128xf32>
    %get3A_100 = arith.constant 0 : index
    %get3A_101 = arith.constant 896 : index
    %get3A_102 = vector.load %arg4[%get3A_100, %get3A_101] : memref<1x8192xf32, #tpu.memory_space<vmem>>, vector<1x128xf32>
    %add3A_103 = vector.broadcast %get3A_102 : vector<1x128xf32> to vector<1024x128xf32>
    %add3A_104 = arith.addf %sub3A_99, %add3A_103 : vector<1024x128xf32>
    %lt3A_105 = arith.cmpf olt, %add3A_104, %select_n3A_93 : vector<1024x128xf32>
    %select_n3A_106 = arith.select %lt3A_105, %add3A_104, %select_n3A_93 : vector<1024x128xi1>, vector<1024x128xf32>
    %jit3A_107 = arith.constant 7.000000e+00 : f32
    %broadcast_in_dim3A_108 = vector.broadcast %jit3A_107 : f32 to vector<1024x128xf32>
    %select_n3A_109 = arith.select %lt3A_105, %broadcast_in_dim3A_108, %select_n3A_96 : vector<1024x128xi1>, vector<1024x128xf32>
    %slice3A_110 = vector.extract_strided_slice %dot_general3A_5 {offsets = [0, 1024], sizes = [1024, 128], strides = [1, 1]} : vector<1024x8192xf32> to vector<1024x128xf32>
    %sub3A_111 = vector.broadcast %get3A_8 : vector<1024x1xf32> to vector<1024x128xf32>
    %sub3A_112 = arith.subf %sub3A_111, %slice3A_110 : vector<1024x128xf32>
    %get3A_113 = arith.constant 0 : index
    %get3A_114 = arith.constant 1024 : index
    %get3A_115 = vector.load %arg4[%get3A_113, %get3A_114] : memref<1x8192xf32, #tpu.memory_space<vmem>>, vector<1x128xf32>
    %add3A_116 = vector.broadcast %get3A_115 : vector<1x128xf32> to vector<1024x128xf32>
    %add3A_117 = arith.addf %sub3A_112, %add3A_116 : vector<1024x128xf32>
    %lt3A_118 = arith.cmpf olt, %add3A_117, %select_n3A_106 : vector<1024x128xf32>
    %select_n3A_119 = arith.select %lt3A_118, %add3A_117, %select_n3A_106 : vector<1024x128xi1>, vector<1024x128xf32>
    %jit3A_120 = arith.constant 8.000000e+00 : f32
    %broadcast_in_dim3A_121 = vector.broadcast %jit3A_120 : f32 to vector<1024x128xf32>
    %select_n3A_122 = arith.select %lt3A_118, %broadcast_in_dim3A_121, %select_n3A_109 : vector<1024x128xi1>, vector<1024x128xf32>
    %slice3A_123 = vector.extract_strided_slice %dot_general3A_5 {offsets = [0, 1152], sizes = [1024, 128], strides = [1, 1]} : vector<1024x8192xf32> to vector<1024x128xf32>
    %sub3A_124 = vector.broadcast %get3A_8 : vector<1024x1xf32> to vector<1024x128xf32>
    %sub3A_125 = arith.subf %sub3A_124, %slice3A_123 : vector<1024x128xf32>
    %get3A_126 = arith.constant 0 : index
    %get3A_127 = arith.constant 1152 : index
    %get3A_128 = vector.load %arg4[%get3A_126, %get3A_127] : memref<1x8192xf32, #tpu.memory_space<vmem>>, vector<1x128xf32>
    %add3A_129 = vector.broadcast %get3A_128 : vector<1x128xf32> to vector<1024x128xf32>
    %add3A_130 = arith.addf %sub3A_125, %add3A_129 : vector<1024x128xf32>
    %lt3A_131 = arith.cmpf olt, %add3A_130, %select_n3A_119 : vector<1024x128xf32>
    %select_n3A_132 = arith.select %lt3A_131, %add3A_130, %select_n3A_119 : vector<1024x128xi1>, vector<1024x128xf32>
    %jit3A_133 = arith.constant 9.000000e+00 : f32
    %broadcast_in_dim3A_134 = vector.broadcast %jit3A_133 : f32 to vector<1024x128xf32>
    %select_n3A_135 = arith.select %lt3A_131, %broadcast_in_dim3A_134, %select_n3A_122 : vector<1024x128xi1>, vector<1024x128xf32>
    %slice3A_136 = vector.extract_strided_slice %dot_general3A_5 {offsets = [0, 1280], sizes = [1024, 128], strides = [1, 1]} : vector<1024x8192xf32> to vector<1024x128xf32>
    %sub3A_137 = vector.broadcast %get3A_8 : vector<1024x1xf32> to vector<1024x128xf32>
    %sub3A_138 = arith.subf %sub3A_137, %slice3A_136 : vector<1024x128xf32>
    %get3A_139 = arith.constant 0 : index
    %get3A_140 = arith.constant 1280 : index
    %get3A_141 = vector.load %arg4[%get3A_139, %get3A_140] : memref<1x8192xf32, #tpu.memory_space<vmem>>, vector<1x128xf32>
    %add3A_142 = vector.broadcast %get3A_141 : vector<1x128xf32> to vector<1024x128xf32>
    %add3A_143 = arith.addf %sub3A_138, %add3A_142 : vector<1024x128xf32>
    %lt3A_144 = arith.cmpf olt, %add3A_143, %select_n3A_132 : vector<1024x128xf32>
    %select_n3A_145 = arith.select %lt3A_144, %add3A_143, %select_n3A_132 : vector<1024x128xi1>, vector<1024x128xf32>
    %jit3A_146 = arith.constant 1.000000e+01 : f32
    %broadcast_in_dim3A_147 = vector.broadcast %jit3A_146 : f32 to vector<1024x128xf32>
    %select_n3A_148 = arith.select %lt3A_144, %broadcast_in_dim3A_147, %select_n3A_135 : vector<1024x128xi1>, vector<1024x128xf32>
    %slice3A_149 = vector.extract_strided_slice %dot_general3A_5 {offsets = [0, 1408], sizes = [1024, 128], strides = [1, 1]} : vector<1024x8192xf32> to vector<1024x128xf32>
    %sub3A_150 = vector.broadcast %get3A_8 : vector<1024x1xf32> to vector<1024x128xf32>
    %sub3A_151 = arith.subf %sub3A_150, %slice3A_149 : vector<1024x128xf32>
    %get3A_152 = arith.constant 0 : index
    %get3A_153 = arith.constant 1408 : index
    %get3A_154 = vector.load %arg4[%get3A_152, %get3A_153] : memref<1x8192xf32, #tpu.memory_space<vmem>>, vector<1x128xf32>
    %add3A_155 = vector.broadcast %get3A_154 : vector<1x128xf32> to vector<1024x128xf32>
    %add3A_156 = arith.addf %sub3A_151, %add3A_155 : vector<1024x128xf32>
    %lt3A_157 = arith.cmpf olt, %add3A_156, %select_n3A_145 : vector<1024x128xf32>
    %select_n3A_158 = arith.select %lt3A_157, %add3A_156, %select_n3A_145 : vector<1024x128xi1>, vector<1024x128xf32>
    %jit3A_159 = arith.constant 1.100000e+01 : f32
    %broadcast_in_dim3A_160 = vector.broadcast %jit3A_159 : f32 to vector<1024x128xf32>
    %select_n3A_161 = arith.select %lt3A_157, %broadcast_in_dim3A_160, %select_n3A_148 : vector<1024x128xi1>, vector<1024x128xf32>
    %slice3A_162 = vector.extract_strided_slice %dot_general3A_5 {offsets = [0, 1536], sizes = [1024, 128], strides = [1, 1]} : vector<1024x8192xf32> to vector<1024x128xf32>
    %sub3A_163 = vector.broadcast %get3A_8 : vector<1024x1xf32> to vector<1024x128xf32>
    %sub3A_164 = arith.subf %sub3A_163, %slice3A_162 : vector<1024x128xf32>
    %get3A_165 = arith.constant 0 : index
    %get3A_166 = arith.constant 1536 : index
    %get3A_167 = vector.load %arg4[%get3A_165, %get3A_166] : memref<1x8192xf32, #tpu.memory_space<vmem>>, vector<1x128xf32>
    %add3A_168 = vector.broadcast %get3A_167 : vector<1x128xf32> to vector<1024x128xf32>
    %add3A_169 = arith.addf %sub3A_164, %add3A_168 : vector<1024x128xf32>
    %lt3A_170 = arith.cmpf olt, %add3A_169, %select_n3A_158 : vector<1024x128xf32>
    %select_n3A_171 = arith.select %lt3A_170, %add3A_169, %select_n3A_158 : vector<1024x128xi1>, vector<1024x128xf32>
    %jit3A_172 = arith.constant 1.200000e+01 : f32
    %broadcast_in_dim3A_173 = vector.broadcast %jit3A_172 : f32 to vector<1024x128xf32>
    %select_n3A_174 = arith.select %lt3A_170, %broadcast_in_dim3A_173, %select_n3A_161 : vector<1024x128xi1>, vector<1024x128xf32>
    %slice3A_175 = vector.extract_strided_slice %dot_general3A_5 {offsets = [0, 1664], sizes = [1024, 128], strides = [1, 1]} : vector<1024x8192xf32> to vector<1024x128xf32>
    %sub3A_176 = vector.broadcast %get3A_8 : vector<1024x1xf32> to vector<1024x128xf32>
    %sub3A_177 = arith.subf %sub3A_176, %slice3A_175 : vector<1024x128xf32>
    %get3A_178 = arith.constant 0 : index
    %get3A_179 = arith.constant 1664 : index
    %get3A_180 = vector.load %arg4[%get3A_178, %get3A_179] : memref<1x8192xf32, #tpu.memory_space<vmem>>, vector<1x128xf32>
    %add3A_181 = vector.broadcast %get3A_180 : vector<1x128xf32> to vector<1024x128xf32>
    %add3A_182 = arith.addf %sub3A_177, %add3A_181 : vector<1024x128xf32>
    %lt3A_183 = arith.cmpf olt, %add3A_182, %select_n3A_171 : vector<1024x128xf32>
    %select_n3A_184 = arith.select %lt3A_183, %add3A_182, %select_n3A_171 : vector<1024x128xi1>, vector<1024x128xf32>
    %jit3A_185 = arith.constant 1.300000e+01 : f32
    %broadcast_in_dim3A_186 = vector.broadcast %jit3A_185 : f32 to vector<1024x128xf32>
    %select_n3A_187 = arith.select %lt3A_183, %broadcast_in_dim3A_186, %select_n3A_174 : vector<1024x128xi1>, vector<1024x128xf32>
    %slice3A_188 = vector.extract_strided_slice %dot_general3A_5 {offsets = [0, 1792], sizes = [1024, 128], strides = [1, 1]} : vector<1024x8192xf32> to vector<1024x128xf32>
    %sub3A_189 = vector.broadcast %get3A_8 : vector<1024x1xf32> to vector<1024x128xf32>
    %sub3A_190 = arith.subf %sub3A_189, %slice3A_188 : vector<1024x128xf32>
    %get3A_191 = arith.constant 0 : index
    %get3A_192 = arith.constant 1792 : index
    %get3A_193 = vector.load %arg4[%get3A_191, %get3A_192] : memref<1x8192xf32, #tpu.memory_space<vmem>>, vector<1x128xf32>
    %add3A_194 = vector.broadcast %get3A_193 : vector<1x128xf32> to vector<1024x128xf32>
    %add3A_195 = arith.addf %sub3A_190, %add3A_194 : vector<1024x128xf32>
    %lt3A_196 = arith.cmpf olt, %add3A_195, %select_n3A_184 : vector<1024x128xf32>
    %select_n3A_197 = arith.select %lt3A_196, %add3A_195, %select_n3A_184 : vector<1024x128xi1>, vector<1024x128xf32>
    %jit3A_198 = arith.constant 1.400000e+01 : f32
    %broadcast_in_dim3A_199 = vector.broadcast %jit3A_198 : f32 to vector<1024x128xf32>
    %select_n3A_200 = arith.select %lt3A_196, %broadcast_in_dim3A_199, %select_n3A_187 : vector<1024x128xi1>, vector<1024x128xf32>
    %slice3A_201 = vector.extract_strided_slice %dot_general3A_5 {offsets = [0, 1920], sizes = [1024, 128], strides = [1, 1]} : vector<1024x8192xf32> to vector<1024x128xf32>
    %sub3A_202 = vector.broadcast %get3A_8 : vector<1024x1xf32> to vector<1024x128xf32>
    %sub3A_203 = arith.subf %sub3A_202, %slice3A_201 : vector<1024x128xf32>
    %get3A_204 = arith.constant 0 : index
    %get3A_205 = arith.constant 1920 : index
    %get3A_206 = vector.load %arg4[%get3A_204, %get3A_205] : memref<1x8192xf32, #tpu.memory_space<vmem>>, vector<1x128xf32>
    %add3A_207 = vector.broadcast %get3A_206 : vector<1x128xf32> to vector<1024x128xf32>
    %add3A_208 = arith.addf %sub3A_203, %add3A_207 : vector<1024x128xf32>
    %lt3A_209 = arith.cmpf olt, %add3A_208, %select_n3A_197 : vector<1024x128xf32>
    %select_n3A_210 = arith.select %lt3A_209, %add3A_208, %select_n3A_197 : vector<1024x128xi1>, vector<1024x128xf32>
    %jit3A_211 = arith.constant 1.500000e+01 : f32
    %broadcast_in_dim3A_212 = vector.broadcast %jit3A_211 : f32 to vector<1024x128xf32>
    %select_n3A_213 = arith.select %lt3A_209, %broadcast_in_dim3A_212, %select_n3A_200 : vector<1024x128xi1>, vector<1024x128xf32>
    %slice3A_214 = vector.extract_strided_slice %dot_general3A_5 {offsets = [0, 2048], sizes = [1024, 128], strides = [1, 1]} : vector<1024x8192xf32> to vector<1024x128xf32>
    %sub3A_215 = vector.broadcast %get3A_8 : vector<1024x1xf32> to vector<1024x128xf32>
    %sub3A_216 = arith.subf %sub3A_215, %slice3A_214 : vector<1024x128xf32>
    %get3A_217 = arith.constant 0 : index
    %get3A_218 = arith.constant 2048 : index
    %get3A_219 = vector.load %arg4[%get3A_217, %get3A_218] : memref<1x8192xf32, #tpu.memory_space<vmem>>, vector<1x128xf32>
    %add3A_220 = vector.broadcast %get3A_219 : vector<1x128xf32> to vector<1024x128xf32>
    %add3A_221 = arith.addf %sub3A_216, %add3A_220 : vector<1024x128xf32>
    %lt3A_222 = arith.cmpf olt, %add3A_221, %select_n3A_210 : vector<1024x128xf32>
    %select_n3A_223 = arith.select %lt3A_222, %add3A_221, %select_n3A_210 : vector<1024x128xi1>, vector<1024x128xf32>
    %jit3A_224 = arith.constant 1.600000e+01 : f32
    %broadcast_in_dim3A_225 = vector.broadcast %jit3A_224 : f32 to vector<1024x128xf32>
    %select_n3A_226 = arith.select %lt3A_222, %broadcast_in_dim3A_225, %select_n3A_213 : vector<1024x128xi1>, vector<1024x128xf32>
    %slice3A_227 = vector.extract_strided_slice %dot_general3A_5 {offsets = [0, 2176], sizes = [1024, 128], strides = [1, 1]} : vector<1024x8192xf32> to vector<1024x128xf32>
    %sub3A_228 = vector.broadcast %get3A_8 : vector<1024x1xf32> to vector<1024x128xf32>
    %sub3A_229 = arith.subf %sub3A_228, %slice3A_227 : vector<1024x128xf32>
    %get3A_230 = arith.constant 0 : index
    %get3A_231 = arith.constant 2176 : index
    %get3A_232 = vector.load %arg4[%get3A_230, %get3A_231] : memref<1x8192xf32, #tpu.memory_space<vmem>>, vector<1x128xf32>
    %add3A_233 = vector.broadcast %get3A_232 : vector<1x128xf32> to vector<1024x128xf32>
    %add3A_234 = arith.addf %sub3A_229, %add3A_233 : vector<1024x128xf32>
    %lt3A_235 = arith.cmpf olt, %add3A_234, %select_n3A_223 : vector<1024x128xf32>
    %select_n3A_236 = arith.select %lt3A_235, %add3A_234, %select_n3A_223 : vector<1024x128xi1>, vector<1024x128xf32>
    %jit3A_237 = arith.constant 1.700000e+01 : f32
    %broadcast_in_dim3A_238 = vector.broadcast %jit3A_237 : f32 to vector<1024x128xf32>
    %select_n3A_239 = arith.select %lt3A_235, %broadcast_in_dim3A_238, %select_n3A_226 : vector<1024x128xi1>, vector<1024x128xf32>
    %slice3A_240 = vector.extract_strided_slice %dot_general3A_5 {offsets = [0, 2304], sizes = [1024, 128], strides = [1, 1]} : vector<1024x8192xf32> to vector<1024x128xf32>
    %sub3A_241 = vector.broadcast %get3A_8 : vector<1024x1xf32> to vector<1024x128xf32>
    %sub3A_242 = arith.subf %sub3A_241, %slice3A_240 : vector<1024x128xf32>
    %get3A_243 = arith.constant 0 : index
    %get3A_244 = arith.constant 2304 : index
    %get3A_245 = vector.load %arg4[%get3A_243, %get3A_244] : memref<1x8192xf32, #tpu.memory_space<vmem>>, vector<1x128xf32>
    %add3A_246 = vector.broadcast %get3A_245 : vector<1x128xf32> to vector<1024x128xf32>
    %add3A_247 = arith.addf %sub3A_242, %add3A_246 : vector<1024x128xf32>
    %lt3A_248 = arith.cmpf olt, %add3A_247, %select_n3A_236 : vector<1024x128xf32>
    %select_n3A_249 = arith.select %lt3A_248, %add3A_247, %select_n3A_236 : vector<1024x128xi1>, vector<1024x128xf32>
    %jit3A_250 = arith.constant 1.800000e+01 : f32
    %broadcast_in_dim3A_251 = vector.broadcast %jit3A_250 : f32 to vector<1024x128xf32>
    %select_n3A_252 = arith.select %lt3A_248, %broadcast_in_dim3A_251, %select_n3A_239 : vector<1024x128xi1>, vector<1024x128xf32>
    %slice3A_253 = vector.extract_strided_slice %dot_general3A_5 {offsets = [0, 2432], sizes = [1024, 128], strides = [1, 1]} : vector<1024x8192xf32> to vector<1024x128xf32>
    %sub3A_254 = vector.broadcast %get3A_8 : vector<1024x1xf32> to vector<1024x128xf32>
    %sub3A_255 = arith.subf %sub3A_254, %slice3A_253 : vector<1024x128xf32>
    %get3A_256 = arith.constant 0 : index
    %get3A_257 = arith.constant 2432 : index
    %get3A_258 = vector.load %arg4[%get3A_256, %get3A_257] : memref<1x8192xf32, #tpu.memory_space<vmem>>, vector<1x128xf32>
    %add3A_259 = vector.broadcast %get3A_258 : vector<1x128xf32> to vector<1024x128xf32>
    %add3A_260 = arith.addf %sub3A_255, %add3A_259 : vector<1024x128xf32>
    %lt3A_261 = arith.cmpf olt, %add3A_260, %select_n3A_249 : vector<1024x128xf32>
    %select_n3A_262 = arith.select %lt3A_261, %add3A_260, %select_n3A_249 : vector<1024x128xi1>, vector<1024x128xf32>
    %jit3A_263 = arith.constant 1.900000e+01 : f32
    %broadcast_in_dim3A_264 = vector.broadcast %jit3A_263 : f32 to vector<1024x128xf32>
    %select_n3A_265 = arith.select %lt3A_261, %broadcast_in_dim3A_264, %select_n3A_252 : vector<1024x128xi1>, vector<1024x128xf32>
    %slice3A_266 = vector.extract_strided_slice %dot_general3A_5 {offsets = [0, 2560], sizes = [1024, 128], strides = [1, 1]} : vector<1024x8192xf32> to vector<1024x128xf32>
    %sub3A_267 = vector.broadcast %get3A_8 : vector<1024x1xf32> to vector<1024x128xf32>
    %sub3A_268 = arith.subf %sub3A_267, %slice3A_266 : vector<1024x128xf32>
    %get3A_269 = arith.constant 0 : index
    %get3A_270 = arith.constant 2560 : index
    %get3A_271 = vector.load %arg4[%get3A_269, %get3A_270] : memref<1x8192xf32, #tpu.memory_space<vmem>>, vector<1x128xf32>
    %add3A_272 = vector.broadcast %get3A_271 : vector<1x128xf32> to vector<1024x128xf32>
    %add3A_273 = arith.addf %sub3A_268, %add3A_272 : vector<1024x128xf32>
    %lt3A_274 = arith.cmpf olt, %add3A_273, %select_n3A_262 : vector<1024x128xf32>
    %select_n3A_275 = arith.select %lt3A_274, %add3A_273, %select_n3A_262 : vector<1024x128xi1>, vector<1024x128xf32>
    %jit3A_276 = arith.constant 2.000000e+01 : f32
    %broadcast_in_dim3A_277 = vector.broadcast %jit3A_276 : f32 to vector<1024x128xf32>
    %select_n3A_278 = arith.select %lt3A_274, %broadcast_in_dim3A_277, %select_n3A_265 : vector<1024x128xi1>, vector<1024x128xf32>
    %slice3A_279 = vector.extract_strided_slice %dot_general3A_5 {offsets = [0, 2688], sizes = [1024, 128], strides = [1, 1]} : vector<1024x8192xf32> to vector<1024x128xf32>
    %sub3A_280 = vector.broadcast %get3A_8 : vector<1024x1xf32> to vector<1024x128xf32>
    %sub3A_281 = arith.subf %sub3A_280, %slice3A_279 : vector<1024x128xf32>
    %get3A_282 = arith.constant 0 : index
    %get3A_283 = arith.constant 2688 : index
    %get3A_284 = vector.load %arg4[%get3A_282, %get3A_283] : memref<1x8192xf32, #tpu.memory_space<vmem>>, vector<1x128xf32>
    %add3A_285 = vector.broadcast %get3A_284 : vector<1x128xf32> to vector<1024x128xf32>
    %add3A_286 = arith.addf %sub3A_281, %add3A_285 : vector<1024x128xf32>
    %lt3A_287 = arith.cmpf olt, %add3A_286, %select_n3A_275 : vector<1024x128xf32>
    %select_n3A_288 = arith.select %lt3A_287, %add3A_286, %select_n3A_275 : vector<1024x128xi1>, vector<1024x128xf32>
    %jit3A_289 = arith.constant 2.100000e+01 : f32
    %broadcast_in_dim3A_290 = vector.broadcast %jit3A_289 : f32 to vector<1024x128xf32>
    %select_n3A_291 = arith.select %lt3A_287, %broadcast_in_dim3A_290, %select_n3A_278 : vector<1024x128xi1>, vector<1024x128xf32>
    %slice3A_292 = vector.extract_strided_slice %dot_general3A_5 {offsets = [0, 2816], sizes = [1024, 128], strides = [1, 1]} : vector<1024x8192xf32> to vector<1024x128xf32>
    %sub3A_293 = vector.broadcast %get3A_8 : vector<1024x1xf32> to vector<1024x128xf32>
    %sub3A_294 = arith.subf %sub3A_293, %slice3A_292 : vector<1024x128xf32>
    %get3A_295 = arith.constant 0 : index
    %get3A_296 = arith.constant 2816 : index
    %get3A_297 = vector.load %arg4[%get3A_295, %get3A_296] : memref<1x8192xf32, #tpu.memory_space<vmem>>, vector<1x128xf32>
    %add3A_298 = vector.broadcast %get3A_297 : vector<1x128xf32> to vector<1024x128xf32>
    %add3A_299 = arith.addf %sub3A_294, %add3A_298 : vector<1024x128xf32>
    %lt3A_300 = arith.cmpf olt, %add3A_299, %select_n3A_288 : vector<1024x128xf32>
    %select_n3A_301 = arith.select %lt3A_300, %add3A_299, %select_n3A_288 : vector<1024x128xi1>, vector<1024x128xf32>
    %jit3A_302 = arith.constant 2.200000e+01 : f32
    %broadcast_in_dim3A_303 = vector.broadcast %jit3A_302 : f32 to vector<1024x128xf32>
    %select_n3A_304 = arith.select %lt3A_300, %broadcast_in_dim3A_303, %select_n3A_291 : vector<1024x128xi1>, vector<1024x128xf32>
    %slice3A_305 = vector.extract_strided_slice %dot_general3A_5 {offsets = [0, 2944], sizes = [1024, 128], strides = [1, 1]} : vector<1024x8192xf32> to vector<1024x128xf32>
    %sub3A_306 = vector.broadcast %get3A_8 : vector<1024x1xf32> to vector<1024x128xf32>
    %sub3A_307 = arith.subf %sub3A_306, %slice3A_305 : vector<1024x128xf32>
    %get3A_308 = arith.constant 0 : index
    %get3A_309 = arith.constant 2944 : index
    %get3A_310 = vector.load %arg4[%get3A_308, %get3A_309] : memref<1x8192xf32, #tpu.memory_space<vmem>>, vector<1x128xf32>
    %add3A_311 = vector.broadcast %get3A_310 : vector<1x128xf32> to vector<1024x128xf32>
    %add3A_312 = arith.addf %sub3A_307, %add3A_311 : vector<1024x128xf32>
    %lt3A_313 = arith.cmpf olt, %add3A_312, %select_n3A_301 : vector<1024x128xf32>
    %select_n3A_314 = arith.select %lt3A_313, %add3A_312, %select_n3A_301 : vector<1024x128xi1>, vector<1024x128xf32>
    %jit3A_315 = arith.constant 2.300000e+01 : f32
    %broadcast_in_dim3A_316 = vector.broadcast %jit3A_315 : f32 to vector<1024x128xf32>
    %select_n3A_317 = arith.select %lt3A_313, %broadcast_in_dim3A_316, %select_n3A_304 : vector<1024x128xi1>, vector<1024x128xf32>
    %slice3A_318 = vector.extract_strided_slice %dot_general3A_5 {offsets = [0, 3072], sizes = [1024, 128], strides = [1, 1]} : vector<1024x8192xf32> to vector<1024x128xf32>
    %sub3A_319 = vector.broadcast %get3A_8 : vector<1024x1xf32> to vector<1024x128xf32>
    %sub3A_320 = arith.subf %sub3A_319, %slice3A_318 : vector<1024x128xf32>
    %get3A_321 = arith.constant 0 : index
    %get3A_322 = arith.constant 3072 : index
    %get3A_323 = vector.load %arg4[%get3A_321, %get3A_322] : memref<1x8192xf32, #tpu.memory_space<vmem>>, vector<1x128xf32>
    %add3A_324 = vector.broadcast %get3A_323 : vector<1x128xf32> to vector<1024x128xf32>
    %add3A_325 = arith.addf %sub3A_320, %add3A_324 : vector<1024x128xf32>
    %lt3A_326 = arith.cmpf olt, %add3A_325, %select_n3A_314 : vector<1024x128xf32>
    %select_n3A_327 = arith.select %lt3A_326, %add3A_325, %select_n3A_314 : vector<1024x128xi1>, vector<1024x128xf32>
    %jit3A_328 = arith.constant 2.400000e+01 : f32
    %broadcast_in_dim3A_329 = vector.broadcast %jit3A_328 : f32 to vector<1024x128xf32>
    %select_n3A_330 = arith.select %lt3A_326, %broadcast_in_dim3A_329, %select_n3A_317 : vector<1024x128xi1>, vector<1024x128xf32>
    %slice3A_331 = vector.extract_strided_slice %dot_general3A_5 {offsets = [0, 3200], sizes = [1024, 128], strides = [1, 1]} : vector<1024x8192xf32> to vector<1024x128xf32>
    %sub3A_332 = vector.broadcast %get3A_8 : vector<1024x1xf32> to vector<1024x128xf32>
    %sub3A_333 = arith.subf %sub3A_332, %slice3A_331 : vector<1024x128xf32>
    %get3A_334 = arith.constant 0 : index
    %get3A_335 = arith.constant 3200 : index
    %get3A_336 = vector.load %arg4[%get3A_334, %get3A_335] : memref<1x8192xf32, #tpu.memory_space<vmem>>, vector<1x128xf32>
    %add3A_337 = vector.broadcast %get3A_336 : vector<1x128xf32> to vector<1024x128xf32>
    %add3A_338 = arith.addf %sub3A_333, %add3A_337 : vector<1024x128xf32>
    %lt3A_339 = arith.cmpf olt, %add3A_338, %select_n3A_327 : vector<1024x128xf32>
    %select_n3A_340 = arith.select %lt3A_339, %add3A_338, %select_n3A_327 : vector<1024x128xi1>, vector<1024x128xf32>
    %jit3A_341 = arith.constant 2.500000e+01 : f32
    %broadcast_in_dim3A_342 = vector.broadcast %jit3A_341 : f32 to vector<1024x128xf32>
    %select_n3A_343 = arith.select %lt3A_339, %broadcast_in_dim3A_342, %select_n3A_330 : vector<1024x128xi1>, vector<1024x128xf32>
    %slice3A_344 = vector.extract_strided_slice %dot_general3A_5 {offsets = [0, 3328], sizes = [1024, 128], strides = [1, 1]} : vector<1024x8192xf32> to vector<1024x128xf32>
    %sub3A_345 = vector.broadcast %get3A_8 : vector<1024x1xf32> to vector<1024x128xf32>
    %sub3A_346 = arith.subf %sub3A_345, %slice3A_344 : vector<1024x128xf32>
    %get3A_347 = arith.constant 0 : index
    %get3A_348 = arith.constant 3328 : index
    %get3A_349 = vector.load %arg4[%get3A_347, %get3A_348] : memref<1x8192xf32, #tpu.memory_space<vmem>>, vector<1x128xf32>
    %add3A_350 = vector.broadcast %get3A_349 : vector<1x128xf32> to vector<1024x128xf32>
    %add3A_351 = arith.addf %sub3A_346, %add3A_350 : vector<1024x128xf32>
    %lt3A_352 = arith.cmpf olt, %add3A_351, %select_n3A_340 : vector<1024x128xf32>
    %select_n3A_353 = arith.select %lt3A_352, %add3A_351, %select_n3A_340 : vector<1024x128xi1>, vector<1024x128xf32>
    %jit3A_354 = arith.constant 2.600000e+01 : f32
    %broadcast_in_dim3A_355 = vector.broadcast %jit3A_354 : f32 to vector<1024x128xf32>
    %select_n3A_356 = arith.select %lt3A_352, %broadcast_in_dim3A_355, %select_n3A_343 : vector<1024x128xi1>, vector<1024x128xf32>
    %slice3A_357 = vector.extract_strided_slice %dot_general3A_5 {offsets = [0, 3456], sizes = [1024, 128], strides = [1, 1]} : vector<1024x8192xf32> to vector<1024x128xf32>
    %sub3A_358 = vector.broadcast %get3A_8 : vector<1024x1xf32> to vector<1024x128xf32>
    %sub3A_359 = arith.subf %sub3A_358, %slice3A_357 : vector<1024x128xf32>
    %get3A_360 = arith.constant 0 : index
    %get3A_361 = arith.constant 3456 : index
    %get3A_362 = vector.load %arg4[%get3A_360, %get3A_361] : memref<1x8192xf32, #tpu.memory_space<vmem>>, vector<1x128xf32>
    %add3A_363 = vector.broadcast %get3A_362 : vector<1x128xf32> to vector<1024x128xf32>
    %add3A_364 = arith.addf %sub3A_359, %add3A_363 : vector<1024x128xf32>
    %lt3A_365 = arith.cmpf olt, %add3A_364, %select_n3A_353 : vector<1024x128xf32>
    %select_n3A_366 = arith.select %lt3A_365, %add3A_364, %select_n3A_353 : vector<1024x128xi1>, vector<1024x128xf32>
    %jit3A_367 = arith.constant 2.700000e+01 : f32
    %broadcast_in_dim3A_368 = vector.broadcast %jit3A_367 : f32 to vector<1024x128xf32>
    %select_n3A_369 = arith.select %lt3A_365, %broadcast_in_dim3A_368, %select_n3A_356 : vector<1024x128xi1>, vector<1024x128xf32>
    %slice3A_370 = vector.extract_strided_slice %dot_general3A_5 {offsets = [0, 3584], sizes = [1024, 128], strides = [1, 1]} : vector<1024x8192xf32> to vector<1024x128xf32>
    %sub3A_371 = vector.broadcast %get3A_8 : vector<1024x1xf32> to vector<1024x128xf32>
    %sub3A_372 = arith.subf %sub3A_371, %slice3A_370 : vector<1024x128xf32>
    %get3A_373 = arith.constant 0 : index
    %get3A_374 = arith.constant 3584 : index
    %get3A_375 = vector.load %arg4[%get3A_373, %get3A_374] : memref<1x8192xf32, #tpu.memory_space<vmem>>, vector<1x128xf32>
    %add3A_376 = vector.broadcast %get3A_375 : vector<1x128xf32> to vector<1024x128xf32>
    %add3A_377 = arith.addf %sub3A_372, %add3A_376 : vector<1024x128xf32>
    %lt3A_378 = arith.cmpf olt, %add3A_377, %select_n3A_366 : vector<1024x128xf32>
    %select_n3A_379 = arith.select %lt3A_378, %add3A_377, %select_n3A_366 : vector<1024x128xi1>, vector<1024x128xf32>
    %jit3A_380 = arith.constant 2.800000e+01 : f32
    %broadcast_in_dim3A_381 = vector.broadcast %jit3A_380 : f32 to vector<1024x128xf32>
    %select_n3A_382 = arith.select %lt3A_378, %broadcast_in_dim3A_381, %select_n3A_369 : vector<1024x128xi1>, vector<1024x128xf32>
    %slice3A_383 = vector.extract_strided_slice %dot_general3A_5 {offsets = [0, 3712], sizes = [1024, 128], strides = [1, 1]} : vector<1024x8192xf32> to vector<1024x128xf32>
    %sub3A_384 = vector.broadcast %get3A_8 : vector<1024x1xf32> to vector<1024x128xf32>
    %sub3A_385 = arith.subf %sub3A_384, %slice3A_383 : vector<1024x128xf32>
    %get3A_386 = arith.constant 0 : index
    %get3A_387 = arith.constant 3712 : index
    %get3A_388 = vector.load %arg4[%get3A_386, %get3A_387] : memref<1x8192xf32, #tpu.memory_space<vmem>>, vector<1x128xf32>
    %add3A_389 = vector.broadcast %get3A_388 : vector<1x128xf32> to vector<1024x128xf32>
    %add3A_390 = arith.addf %sub3A_385, %add3A_389 : vector<1024x128xf32>
    %lt3A_391 = arith.cmpf olt, %add3A_390, %select_n3A_379 : vector<1024x128xf32>
    %select_n3A_392 = arith.select %lt3A_391, %add3A_390, %select_n3A_379 : vector<1024x128xi1>, vector<1024x128xf32>
    %jit3A_393 = arith.constant 2.900000e+01 : f32
    %broadcast_in_dim3A_394 = vector.broadcast %jit3A_393 : f32 to vector<1024x128xf32>
    %select_n3A_395 = arith.select %lt3A_391, %broadcast_in_dim3A_394, %select_n3A_382 : vector<1024x128xi1>, vector<1024x128xf32>
    %slice3A_396 = vector.extract_strided_slice %dot_general3A_5 {offsets = [0, 3840], sizes = [1024, 128], strides = [1, 1]} : vector<1024x8192xf32> to vector<1024x128xf32>
    %sub3A_397 = vector.broadcast %get3A_8 : vector<1024x1xf32> to vector<1024x128xf32>
    %sub3A_398 = arith.subf %sub3A_397, %slice3A_396 : vector<1024x128xf32>
    %get3A_399 = arith.constant 0 : index
    %get3A_400 = arith.constant 3840 : index
    %get3A_401 = vector.load %arg4[%get3A_399, %get3A_400] : memref<1x8192xf32, #tpu.memory_space<vmem>>, vector<1x128xf32>
    %add3A_402 = vector.broadcast %get3A_401 : vector<1x128xf32> to vector<1024x128xf32>
    %add3A_403 = arith.addf %sub3A_398, %add3A_402 : vector<1024x128xf32>
    %lt3A_404 = arith.cmpf olt, %add3A_403, %select_n3A_392 : vector<1024x128xf32>
    %select_n3A_405 = arith.select %lt3A_404, %add3A_403, %select_n3A_392 : vector<1024x128xi1>, vector<1024x128xf32>
    %jit3A_406 = arith.constant 3.000000e+01 : f32
    %broadcast_in_dim3A_407 = vector.broadcast %jit3A_406 : f32 to vector<1024x128xf32>
    %select_n3A_408 = arith.select %lt3A_404, %broadcast_in_dim3A_407, %select_n3A_395 : vector<1024x128xi1>, vector<1024x128xf32>
    %slice3A_409 = vector.extract_strided_slice %dot_general3A_5 {offsets = [0, 3968], sizes = [1024, 128], strides = [1, 1]} : vector<1024x8192xf32> to vector<1024x128xf32>
    %sub3A_410 = vector.broadcast %get3A_8 : vector<1024x1xf32> to vector<1024x128xf32>
    %sub3A_411 = arith.subf %sub3A_410, %slice3A_409 : vector<1024x128xf32>
    %get3A_412 = arith.constant 0 : index
    %get3A_413 = arith.constant 3968 : index
    %get3A_414 = vector.load %arg4[%get3A_412, %get3A_413] : memref<1x8192xf32, #tpu.memory_space<vmem>>, vector<1x128xf32>
    %add3A_415 = vector.broadcast %get3A_414 : vector<1x128xf32> to vector<1024x128xf32>
    %add3A_416 = arith.addf %sub3A_411, %add3A_415 : vector<1024x128xf32>
    %lt3A_417 = arith.cmpf olt, %add3A_416, %select_n3A_405 : vector<1024x128xf32>
    %select_n3A_418 = arith.select %lt3A_417, %add3A_416, %select_n3A_405 : vector<1024x128xi1>, vector<1024x128xf32>
    %jit3A_419 = arith.constant 3.100000e+01 : f32
    %broadcast_in_dim3A_420 = vector.broadcast %jit3A_419 : f32 to vector<1024x128xf32>
    %select_n3A_421 = arith.select %lt3A_417, %broadcast_in_dim3A_420, %select_n3A_408 : vector<1024x128xi1>, vector<1024x128xf32>
    %iota3A = tpu.iota {dimensions = array<i32: 1>} : vector<1024x128xi32>
    %convert_element_type3A = arith.sitofp %iota3A : vector<1024x128xi32> to vector<1024x128xf32>
    %mul3A = arith.constant 1.280000e+02 : f32
    %mul3A_422 = vector.broadcast %mul3A : f32 to vector<1024x128xf32>
    %mul3A_423 = arith.mulf %select_n3A_421, %mul3A_422 : vector<1024x128xf32>
    %add3A_424 = arith.addf %mul3A_423, %convert_element_type3A : vector<1024x128xf32>
    %reduce_min3A = arith.constant dense<0x7F800000> : vector<1024xf32>
    %reduce_min3A_425 = vector.multi_reduction <minimumf>, %select_n3A_418, %reduce_min3A [1] : vector<1024x128xf32> to vector<1024xf32>
    %broadcast_in_dim3A_426 = vector.shape_cast %reduce_min3A_425 : vector<1024xf32> to vector<1024x1xf32>
    %eq3A = vector.broadcast %broadcast_in_dim3A_426 : vector<1024x1xf32> to vector<1024x128xf32>
    %eq3A_427 = arith.cmpf oeq, %select_n3A_418, %eq3A : vector<1024x128xf32>
    %jit3A_428 = arith.constant 4.096000e+03 : f32
    %broadcast_in_dim3A_429 = vector.broadcast %jit3A_428 : f32 to vector<1024x128xf32>
    %select_n3A_430 = arith.select %eq3A_427, %add3A_424, %broadcast_in_dim3A_429 : vector<1024x128xi1>, vector<1024x128xf32>
    %reduce_min3A_431 = arith.constant dense<0x7F800000> : vector<1024xf32>
    %reduce_min3A_432 = vector.multi_reduction <minimumf>, %select_n3A_430, %reduce_min3A_431 [1] : vector<1024x128xf32> to vector<1024xf32>
    %broadcast_in_dim3A_433 = vector.shape_cast %reduce_min3A_432 : vector<1024xf32> to vector<1024x1xf32>
    %convert_element_type3A_434 = arith.fptosi %broadcast_in_dim3A_433 : vector<1024x1xf32> to vector<1024x1xi32>
    %add3A_435 = arith.constant 0 : i32
    %add3A_436 = vector.broadcast %add3A_435 : i32 to vector<1024x1xi32>
    %add3A_437 = arith.addi %convert_element_type3A_434, %add3A_436 : vector<1024x1xi32>
    %broadcast_in_dim3A_438 = arith.constant 0x7F800000 : f32
    %broadcast_in_dim3A_439 = vector.broadcast %broadcast_in_dim3A_438 : f32 to vector<1024x128xf32>
    %broadcast_in_dim3A_440 = arith.constant 0.000000e+00 : f32
    %broadcast_in_dim3A_441 = vector.broadcast %broadcast_in_dim3A_440 : f32 to vector<1024x128xf32>
    %slice3A_442 = vector.extract_strided_slice %dot_general3A_5 {offsets = [0, 4096], sizes = [1024, 128], strides = [1, 1]} : vector<1024x8192xf32> to vector<1024x128xf32>
    %sub3A_443 = vector.broadcast %get3A_8 : vector<1024x1xf32> to vector<1024x128xf32>
    %sub3A_444 = arith.subf %sub3A_443, %slice3A_442 : vector<1024x128xf32>
    %get3A_445 = arith.constant 0 : index
    %get3A_446 = arith.constant 4096 : index
    %get3A_447 = vector.load %arg4[%get3A_445, %get3A_446] : memref<1x8192xf32, #tpu.memory_space<vmem>>, vector<1x128xf32>
    %add3A_448 = vector.broadcast %get3A_447 : vector<1x128xf32> to vector<1024x128xf32>
    %add3A_449 = arith.addf %sub3A_444, %add3A_448 : vector<1024x128xf32>
    %lt3A_450 = arith.cmpf olt, %add3A_449, %broadcast_in_dim3A_439 : vector<1024x128xf32>
    %select_n3A_451 = arith.select %lt3A_450, %add3A_449, %broadcast_in_dim3A_439 : vector<1024x128xi1>, vector<1024x128xf32>
    %jit3A_452 = arith.constant 0.000000e+00 : f32
    %broadcast_in_dim3A_453 = vector.broadcast %jit3A_452 : f32 to vector<1024x128xf32>
    %select_n3A_454 = arith.select %lt3A_450, %broadcast_in_dim3A_453, %broadcast_in_dim3A_441 : vector<1024x128xi1>, vector<1024x128xf32>
    %slice3A_455 = vector.extract_strided_slice %dot_general3A_5 {offsets = [0, 4224], sizes = [1024, 128], strides = [1, 1]} : vector<1024x8192xf32> to vector<1024x128xf32>
    %sub3A_456 = vector.broadcast %get3A_8 : vector<1024x1xf32> to vector<1024x128xf32>
    %sub3A_457 = arith.subf %sub3A_456, %slice3A_455 : vector<1024x128xf32>
    %get3A_458 = arith.constant 0 : index
    %get3A_459 = arith.constant 4224 : index
    %get3A_460 = vector.load %arg4[%get3A_458, %get3A_459] : memref<1x8192xf32, #tpu.memory_space<vmem>>, vector<1x128xf32>
    %add3A_461 = vector.broadcast %get3A_460 : vector<1x128xf32> to vector<1024x128xf32>
    %add3A_462 = arith.addf %sub3A_457, %add3A_461 : vector<1024x128xf32>
    %lt3A_463 = arith.cmpf olt, %add3A_462, %select_n3A_451 : vector<1024x128xf32>
    %select_n3A_464 = arith.select %lt3A_463, %add3A_462, %select_n3A_451 : vector<1024x128xi1>, vector<1024x128xf32>
    %jit3A_465 = arith.constant 1.000000e+00 : f32
    %broadcast_in_dim3A_466 = vector.broadcast %jit3A_465 : f32 to vector<1024x128xf32>
    %select_n3A_467 = arith.select %lt3A_463, %broadcast_in_dim3A_466, %select_n3A_454 : vector<1024x128xi1>, vector<1024x128xf32>
    %slice3A_468 = vector.extract_strided_slice %dot_general3A_5 {offsets = [0, 4352], sizes = [1024, 128], strides = [1, 1]} : vector<1024x8192xf32> to vector<1024x128xf32>
    %sub3A_469 = vector.broadcast %get3A_8 : vector<1024x1xf32> to vector<1024x128xf32>
    %sub3A_470 = arith.subf %sub3A_469, %slice3A_468 : vector<1024x128xf32>
    %get3A_471 = arith.constant 0 : index
    %get3A_472 = arith.constant 4352 : index
    %get3A_473 = vector.load %arg4[%get3A_471, %get3A_472] : memref<1x8192xf32, #tpu.memory_space<vmem>>, vector<1x128xf32>
    %add3A_474 = vector.broadcast %get3A_473 : vector<1x128xf32> to vector<1024x128xf32>
    %add3A_475 = arith.addf %sub3A_470, %add3A_474 : vector<1024x128xf32>
    %lt3A_476 = arith.cmpf olt, %add3A_475, %select_n3A_464 : vector<1024x128xf32>
    %select_n3A_477 = arith.select %lt3A_476, %add3A_475, %select_n3A_464 : vector<1024x128xi1>, vector<1024x128xf32>
    %jit3A_478 = arith.constant 2.000000e+00 : f32
    %broadcast_in_dim3A_479 = vector.broadcast %jit3A_478 : f32 to vector<1024x128xf32>
    %select_n3A_480 = arith.select %lt3A_476, %broadcast_in_dim3A_479, %select_n3A_467 : vector<1024x128xi1>, vector<1024x128xf32>
    %slice3A_481 = vector.extract_strided_slice %dot_general3A_5 {offsets = [0, 4480], sizes = [1024, 128], strides = [1, 1]} : vector<1024x8192xf32> to vector<1024x128xf32>
    %sub3A_482 = vector.broadcast %get3A_8 : vector<1024x1xf32> to vector<1024x128xf32>
    %sub3A_483 = arith.subf %sub3A_482, %slice3A_481 : vector<1024x128xf32>
    %get3A_484 = arith.constant 0 : index
    %get3A_485 = arith.constant 4480 : index
    %get3A_486 = vector.load %arg4[%get3A_484, %get3A_485] : memref<1x8192xf32, #tpu.memory_space<vmem>>, vector<1x128xf32>
    %add3A_487 = vector.broadcast %get3A_486 : vector<1x128xf32> to vector<1024x128xf32>
    %add3A_488 = arith.addf %sub3A_483, %add3A_487 : vector<1024x128xf32>
    %lt3A_489 = arith.cmpf olt, %add3A_488, %select_n3A_477 : vector<1024x128xf32>
    %select_n3A_490 = arith.select %lt3A_489, %add3A_488, %select_n3A_477 : vector<1024x128xi1>, vector<1024x128xf32>
    %jit3A_491 = arith.constant 3.000000e+00 : f32
    %broadcast_in_dim3A_492 = vector.broadcast %jit3A_491 : f32 to vector<1024x128xf32>
    %select_n3A_493 = arith.select %lt3A_489, %broadcast_in_dim3A_492, %select_n3A_480 : vector<1024x128xi1>, vector<1024x128xf32>
    %slice3A_494 = vector.extract_strided_slice %dot_general3A_5 {offsets = [0, 4608], sizes = [1024, 128], strides = [1, 1]} : vector<1024x8192xf32> to vector<1024x128xf32>
    %sub3A_495 = vector.broadcast %get3A_8 : vector<1024x1xf32> to vector<1024x128xf32>
    %sub3A_496 = arith.subf %sub3A_495, %slice3A_494 : vector<1024x128xf32>
    %get3A_497 = arith.constant 0 : index
    %get3A_498 = arith.constant 4608 : index
    %get3A_499 = vector.load %arg4[%get3A_497, %get3A_498] : memref<1x8192xf32, #tpu.memory_space<vmem>>, vector<1x128xf32>
    %add3A_500 = vector.broadcast %get3A_499 : vector<1x128xf32> to vector<1024x128xf32>
    %add3A_501 = arith.addf %sub3A_496, %add3A_500 : vector<1024x128xf32>
    %lt3A_502 = arith.cmpf olt, %add3A_501, %select_n3A_490 : vector<1024x128xf32>
    %select_n3A_503 = arith.select %lt3A_502, %add3A_501, %select_n3A_490 : vector<1024x128xi1>, vector<1024x128xf32>
    %jit3A_504 = arith.constant 4.000000e+00 : f32
    %broadcast_in_dim3A_505 = vector.broadcast %jit3A_504 : f32 to vector<1024x128xf32>
    %select_n3A_506 = arith.select %lt3A_502, %broadcast_in_dim3A_505, %select_n3A_493 : vector<1024x128xi1>, vector<1024x128xf32>
    %slice3A_507 = vector.extract_strided_slice %dot_general3A_5 {offsets = [0, 4736], sizes = [1024, 128], strides = [1, 1]} : vector<1024x8192xf32> to vector<1024x128xf32>
    %sub3A_508 = vector.broadcast %get3A_8 : vector<1024x1xf32> to vector<1024x128xf32>
    %sub3A_509 = arith.subf %sub3A_508, %slice3A_507 : vector<1024x128xf32>
    %get3A_510 = arith.constant 0 : index
    %get3A_511 = arith.constant 4736 : index
    %get3A_512 = vector.load %arg4[%get3A_510, %get3A_511] : memref<1x8192xf32, #tpu.memory_space<vmem>>, vector<1x128xf32>
    %add3A_513 = vector.broadcast %get3A_512 : vector<1x128xf32> to vector<1024x128xf32>
    %add3A_514 = arith.addf %sub3A_509, %add3A_513 : vector<1024x128xf32>
    %lt3A_515 = arith.cmpf olt, %add3A_514, %select_n3A_503 : vector<1024x128xf32>
    %select_n3A_516 = arith.select %lt3A_515, %add3A_514, %select_n3A_503 : vector<1024x128xi1>, vector<1024x128xf32>
    %jit3A_517 = arith.constant 5.000000e+00 : f32
    %broadcast_in_dim3A_518 = vector.broadcast %jit3A_517 : f32 to vector<1024x128xf32>
    %select_n3A_519 = arith.select %lt3A_515, %broadcast_in_dim3A_518, %select_n3A_506 : vector<1024x128xi1>, vector<1024x128xf32>
    %slice3A_520 = vector.extract_strided_slice %dot_general3A_5 {offsets = [0, 4864], sizes = [1024, 128], strides = [1, 1]} : vector<1024x8192xf32> to vector<1024x128xf32>
    %sub3A_521 = vector.broadcast %get3A_8 : vector<1024x1xf32> to vector<1024x128xf32>
    %sub3A_522 = arith.subf %sub3A_521, %slice3A_520 : vector<1024x128xf32>
    %get3A_523 = arith.constant 0 : index
    %get3A_524 = arith.constant 4864 : index
    %get3A_525 = vector.load %arg4[%get3A_523, %get3A_524] : memref<1x8192xf32, #tpu.memory_space<vmem>>, vector<1x128xf32>
    %add3A_526 = vector.broadcast %get3A_525 : vector<1x128xf32> to vector<1024x128xf32>
    %add3A_527 = arith.addf %sub3A_522, %add3A_526 : vector<1024x128xf32>
    %lt3A_528 = arith.cmpf olt, %add3A_527, %select_n3A_516 : vector<1024x128xf32>
    %select_n3A_529 = arith.select %lt3A_528, %add3A_527, %select_n3A_516 : vector<1024x128xi1>, vector<1024x128xf32>
    %jit3A_530 = arith.constant 6.000000e+00 : f32
    %broadcast_in_dim3A_531 = vector.broadcast %jit3A_530 : f32 to vector<1024x128xf32>
    %select_n3A_532 = arith.select %lt3A_528, %broadcast_in_dim3A_531, %select_n3A_519 : vector<1024x128xi1>, vector<1024x128xf32>
    %slice3A_533 = vector.extract_strided_slice %dot_general3A_5 {offsets = [0, 4992], sizes = [1024, 128], strides = [1, 1]} : vector<1024x8192xf32> to vector<1024x128xf32>
    %sub3A_534 = vector.broadcast %get3A_8 : vector<1024x1xf32> to vector<1024x128xf32>
    %sub3A_535 = arith.subf %sub3A_534, %slice3A_533 : vector<1024x128xf32>
    %get3A_536 = arith.constant 0 : index
    %get3A_537 = arith.constant 4992 : index
    %get3A_538 = vector.load %arg4[%get3A_536, %get3A_537] : memref<1x8192xf32, #tpu.memory_space<vmem>>, vector<1x128xf32>
    %add3A_539 = vector.broadcast %get3A_538 : vector<1x128xf32> to vector<1024x128xf32>
    %add3A_540 = arith.addf %sub3A_535, %add3A_539 : vector<1024x128xf32>
    %lt3A_541 = arith.cmpf olt, %add3A_540, %select_n3A_529 : vector<1024x128xf32>
    %select_n3A_542 = arith.select %lt3A_541, %add3A_540, %select_n3A_529 : vector<1024x128xi1>, vector<1024x128xf32>
    %jit3A_543 = arith.constant 7.000000e+00 : f32
    %broadcast_in_dim3A_544 = vector.broadcast %jit3A_543 : f32 to vector<1024x128xf32>
    %select_n3A_545 = arith.select %lt3A_541, %broadcast_in_dim3A_544, %select_n3A_532 : vector<1024x128xi1>, vector<1024x128xf32>
    %slice3A_546 = vector.extract_strided_slice %dot_general3A_5 {offsets = [0, 5120], sizes = [1024, 128], strides = [1, 1]} : vector<1024x8192xf32> to vector<1024x128xf32>
    %sub3A_547 = vector.broadcast %get3A_8 : vector<1024x1xf32> to vector<1024x128xf32>
    %sub3A_548 = arith.subf %sub3A_547, %slice3A_546 : vector<1024x128xf32>
    %get3A_549 = arith.constant 0 : index
    %get3A_550 = arith.constant 5120 : index
    %get3A_551 = vector.load %arg4[%get3A_549, %get3A_550] : memref<1x8192xf32, #tpu.memory_space<vmem>>, vector<1x128xf32>
    %add3A_552 = vector.broadcast %get3A_551 : vector<1x128xf32> to vector<1024x128xf32>
    %add3A_553 = arith.addf %sub3A_548, %add3A_552 : vector<1024x128xf32>
    %lt3A_554 = arith.cmpf olt, %add3A_553, %select_n3A_542 : vector<1024x128xf32>
    %select_n3A_555 = arith.select %lt3A_554, %add3A_553, %select_n3A_542 : vector<1024x128xi1>, vector<1024x128xf32>
    %jit3A_556 = arith.constant 8.000000e+00 : f32
    %broadcast_in_dim3A_557 = vector.broadcast %jit3A_556 : f32 to vector<1024x128xf32>
    %select_n3A_558 = arith.select %lt3A_554, %broadcast_in_dim3A_557, %select_n3A_545 : vector<1024x128xi1>, vector<1024x128xf32>
    %slice3A_559 = vector.extract_strided_slice %dot_general3A_5 {offsets = [0, 5248], sizes = [1024, 128], strides = [1, 1]} : vector<1024x8192xf32> to vector<1024x128xf32>
    %sub3A_560 = vector.broadcast %get3A_8 : vector<1024x1xf32> to vector<1024x128xf32>
    %sub3A_561 = arith.subf %sub3A_560, %slice3A_559 : vector<1024x128xf32>
    %get3A_562 = arith.constant 0 : index
    %get3A_563 = arith.constant 5248 : index
    %get3A_564 = vector.load %arg4[%get3A_562, %get3A_563] : memref<1x8192xf32, #tpu.memory_space<vmem>>, vector<1x128xf32>
    %add3A_565 = vector.broadcast %get3A_564 : vector<1x128xf32> to vector<1024x128xf32>
    %add3A_566 = arith.addf %sub3A_561, %add3A_565 : vector<1024x128xf32>
    %lt3A_567 = arith.cmpf olt, %add3A_566, %select_n3A_555 : vector<1024x128xf32>
    %select_n3A_568 = arith.select %lt3A_567, %add3A_566, %select_n3A_555 : vector<1024x128xi1>, vector<1024x128xf32>
    %jit3A_569 = arith.constant 9.000000e+00 : f32
    %broadcast_in_dim3A_570 = vector.broadcast %jit3A_569 : f32 to vector<1024x128xf32>
    %select_n3A_571 = arith.select %lt3A_567, %broadcast_in_dim3A_570, %select_n3A_558 : vector<1024x128xi1>, vector<1024x128xf32>
    %slice3A_572 = vector.extract_strided_slice %dot_general3A_5 {offsets = [0, 5376], sizes = [1024, 128], strides = [1, 1]} : vector<1024x8192xf32> to vector<1024x128xf32>
    %sub3A_573 = vector.broadcast %get3A_8 : vector<1024x1xf32> to vector<1024x128xf32>
    %sub3A_574 = arith.subf %sub3A_573, %slice3A_572 : vector<1024x128xf32>
    %get3A_575 = arith.constant 0 : index
    %get3A_576 = arith.constant 5376 : index
    %get3A_577 = vector.load %arg4[%get3A_575, %get3A_576] : memref<1x8192xf32, #tpu.memory_space<vmem>>, vector<1x128xf32>
    %add3A_578 = vector.broadcast %get3A_577 : vector<1x128xf32> to vector<1024x128xf32>
    %add3A_579 = arith.addf %sub3A_574, %add3A_578 : vector<1024x128xf32>
    %lt3A_580 = arith.cmpf olt, %add3A_579, %select_n3A_568 : vector<1024x128xf32>
    %select_n3A_581 = arith.select %lt3A_580, %add3A_579, %select_n3A_568 : vector<1024x128xi1>, vector<1024x128xf32>
    %jit3A_582 = arith.constant 1.000000e+01 : f32
    %broadcast_in_dim3A_583 = vector.broadcast %jit3A_582 : f32 to vector<1024x128xf32>
    %select_n3A_584 = arith.select %lt3A_580, %broadcast_in_dim3A_583, %select_n3A_571 : vector<1024x128xi1>, vector<1024x128xf32>
    %slice3A_585 = vector.extract_strided_slice %dot_general3A_5 {offsets = [0, 5504], sizes = [1024, 128], strides = [1, 1]} : vector<1024x8192xf32> to vector<1024x128xf32>
    %sub3A_586 = vector.broadcast %get3A_8 : vector<1024x1xf32> to vector<1024x128xf32>
    %sub3A_587 = arith.subf %sub3A_586, %slice3A_585 : vector<1024x128xf32>
    %get3A_588 = arith.constant 0 : index
    %get3A_589 = arith.constant 5504 : index
    %get3A_590 = vector.load %arg4[%get3A_588, %get3A_589] : memref<1x8192xf32, #tpu.memory_space<vmem>>, vector<1x128xf32>
    %add3A_591 = vector.broadcast %get3A_590 : vector<1x128xf32> to vector<1024x128xf32>
    %add3A_592 = arith.addf %sub3A_587, %add3A_591 : vector<1024x128xf32>
    %lt3A_593 = arith.cmpf olt, %add3A_592, %select_n3A_581 : vector<1024x128xf32>
    %select_n3A_594 = arith.select %lt3A_593, %add3A_592, %select_n3A_581 : vector<1024x128xi1>, vector<1024x128xf32>
    %jit3A_595 = arith.constant 1.100000e+01 : f32
    %broadcast_in_dim3A_596 = vector.broadcast %jit3A_595 : f32 to vector<1024x128xf32>
    %select_n3A_597 = arith.select %lt3A_593, %broadcast_in_dim3A_596, %select_n3A_584 : vector<1024x128xi1>, vector<1024x128xf32>
    %slice3A_598 = vector.extract_strided_slice %dot_general3A_5 {offsets = [0, 5632], sizes = [1024, 128], strides = [1, 1]} : vector<1024x8192xf32> to vector<1024x128xf32>
    %sub3A_599 = vector.broadcast %get3A_8 : vector<1024x1xf32> to vector<1024x128xf32>
    %sub3A_600 = arith.subf %sub3A_599, %slice3A_598 : vector<1024x128xf32>
    %get3A_601 = arith.constant 0 : index
    %get3A_602 = arith.constant 5632 : index
    %get3A_603 = vector.load %arg4[%get3A_601, %get3A_602] : memref<1x8192xf32, #tpu.memory_space<vmem>>, vector<1x128xf32>
    %add3A_604 = vector.broadcast %get3A_603 : vector<1x128xf32> to vector<1024x128xf32>
    %add3A_605 = arith.addf %sub3A_600, %add3A_604 : vector<1024x128xf32>
    %lt3A_606 = arith.cmpf olt, %add3A_605, %select_n3A_594 : vector<1024x128xf32>
    %select_n3A_607 = arith.select %lt3A_606, %add3A_605, %select_n3A_594 : vector<1024x128xi1>, vector<1024x128xf32>
    %jit3A_608 = arith.constant 1.200000e+01 : f32
    %broadcast_in_dim3A_609 = vector.broadcast %jit3A_608 : f32 to vector<1024x128xf32>
    %select_n3A_610 = arith.select %lt3A_606, %broadcast_in_dim3A_609, %select_n3A_597 : vector<1024x128xi1>, vector<1024x128xf32>
    %slice3A_611 = vector.extract_strided_slice %dot_general3A_5 {offsets = [0, 5760], sizes = [1024, 128], strides = [1, 1]} : vector<1024x8192xf32> to vector<1024x128xf32>
    %sub3A_612 = vector.broadcast %get3A_8 : vector<1024x1xf32> to vector<1024x128xf32>
    %sub3A_613 = arith.subf %sub3A_612, %slice3A_611 : vector<1024x128xf32>
    %get3A_614 = arith.constant 0 : index
    %get3A_615 = arith.constant 5760 : index
    %get3A_616 = vector.load %arg4[%get3A_614, %get3A_615] : memref<1x8192xf32, #tpu.memory_space<vmem>>, vector<1x128xf32>
    %add3A_617 = vector.broadcast %get3A_616 : vector<1x128xf32> to vector<1024x128xf32>
    %add3A_618 = arith.addf %sub3A_613, %add3A_617 : vector<1024x128xf32>
    %lt3A_619 = arith.cmpf olt, %add3A_618, %select_n3A_607 : vector<1024x128xf32>
    %select_n3A_620 = arith.select %lt3A_619, %add3A_618, %select_n3A_607 : vector<1024x128xi1>, vector<1024x128xf32>
    %jit3A_621 = arith.constant 1.300000e+01 : f32
    %broadcast_in_dim3A_622 = vector.broadcast %jit3A_621 : f32 to vector<1024x128xf32>
    %select_n3A_623 = arith.select %lt3A_619, %broadcast_in_dim3A_622, %select_n3A_610 : vector<1024x128xi1>, vector<1024x128xf32>
    %slice3A_624 = vector.extract_strided_slice %dot_general3A_5 {offsets = [0, 5888], sizes = [1024, 128], strides = [1, 1]} : vector<1024x8192xf32> to vector<1024x128xf32>
    %sub3A_625 = vector.broadcast %get3A_8 : vector<1024x1xf32> to vector<1024x128xf32>
    %sub3A_626 = arith.subf %sub3A_625, %slice3A_624 : vector<1024x128xf32>
    %get3A_627 = arith.constant 0 : index
    %get3A_628 = arith.constant 5888 : index
    %get3A_629 = vector.load %arg4[%get3A_627, %get3A_628] : memref<1x8192xf32, #tpu.memory_space<vmem>>, vector<1x128xf32>
    %add3A_630 = vector.broadcast %get3A_629 : vector<1x128xf32> to vector<1024x128xf32>
    %add3A_631 = arith.addf %sub3A_626, %add3A_630 : vector<1024x128xf32>
    %lt3A_632 = arith.cmpf olt, %add3A_631, %select_n3A_620 : vector<1024x128xf32>
    %select_n3A_633 = arith.select %lt3A_632, %add3A_631, %select_n3A_620 : vector<1024x128xi1>, vector<1024x128xf32>
    %jit3A_634 = arith.constant 1.400000e+01 : f32
    %broadcast_in_dim3A_635 = vector.broadcast %jit3A_634 : f32 to vector<1024x128xf32>
    %select_n3A_636 = arith.select %lt3A_632, %broadcast_in_dim3A_635, %select_n3A_623 : vector<1024x128xi1>, vector<1024x128xf32>
    %slice3A_637 = vector.extract_strided_slice %dot_general3A_5 {offsets = [0, 6016], sizes = [1024, 128], strides = [1, 1]} : vector<1024x8192xf32> to vector<1024x128xf32>
    %sub3A_638 = vector.broadcast %get3A_8 : vector<1024x1xf32> to vector<1024x128xf32>
    %sub3A_639 = arith.subf %sub3A_638, %slice3A_637 : vector<1024x128xf32>
    %get3A_640 = arith.constant 0 : index
    %get3A_641 = arith.constant 6016 : index
    %get3A_642 = vector.load %arg4[%get3A_640, %get3A_641] : memref<1x8192xf32, #tpu.memory_space<vmem>>, vector<1x128xf32>
    %add3A_643 = vector.broadcast %get3A_642 : vector<1x128xf32> to vector<1024x128xf32>
    %add3A_644 = arith.addf %sub3A_639, %add3A_643 : vector<1024x128xf32>
    %lt3A_645 = arith.cmpf olt, %add3A_644, %select_n3A_633 : vector<1024x128xf32>
    %select_n3A_646 = arith.select %lt3A_645, %add3A_644, %select_n3A_633 : vector<1024x128xi1>, vector<1024x128xf32>
    %jit3A_647 = arith.constant 1.500000e+01 : f32
    %broadcast_in_dim3A_648 = vector.broadcast %jit3A_647 : f32 to vector<1024x128xf32>
    %select_n3A_649 = arith.select %lt3A_645, %broadcast_in_dim3A_648, %select_n3A_636 : vector<1024x128xi1>, vector<1024x128xf32>
    %slice3A_650 = vector.extract_strided_slice %dot_general3A_5 {offsets = [0, 6144], sizes = [1024, 128], strides = [1, 1]} : vector<1024x8192xf32> to vector<1024x128xf32>
    %sub3A_651 = vector.broadcast %get3A_8 : vector<1024x1xf32> to vector<1024x128xf32>
    %sub3A_652 = arith.subf %sub3A_651, %slice3A_650 : vector<1024x128xf32>
    %get3A_653 = arith.constant 0 : index
    %get3A_654 = arith.constant 6144 : index
    %get3A_655 = vector.load %arg4[%get3A_653, %get3A_654] : memref<1x8192xf32, #tpu.memory_space<vmem>>, vector<1x128xf32>
    %add3A_656 = vector.broadcast %get3A_655 : vector<1x128xf32> to vector<1024x128xf32>
    %add3A_657 = arith.addf %sub3A_652, %add3A_656 : vector<1024x128xf32>
    %lt3A_658 = arith.cmpf olt, %add3A_657, %select_n3A_646 : vector<1024x128xf32>
    %select_n3A_659 = arith.select %lt3A_658, %add3A_657, %select_n3A_646 : vector<1024x128xi1>, vector<1024x128xf32>
    %jit3A_660 = arith.constant 1.600000e+01 : f32
    %broadcast_in_dim3A_661 = vector.broadcast %jit3A_660 : f32 to vector<1024x128xf32>
    %select_n3A_662 = arith.select %lt3A_658, %broadcast_in_dim3A_661, %select_n3A_649 : vector<1024x128xi1>, vector<1024x128xf32>
    %slice3A_663 = vector.extract_strided_slice %dot_general3A_5 {offsets = [0, 6272], sizes = [1024, 128], strides = [1, 1]} : vector<1024x8192xf32> to vector<1024x128xf32>
    %sub3A_664 = vector.broadcast %get3A_8 : vector<1024x1xf32> to vector<1024x128xf32>
    %sub3A_665 = arith.subf %sub3A_664, %slice3A_663 : vector<1024x128xf32>
    %get3A_666 = arith.constant 0 : index
    %get3A_667 = arith.constant 6272 : index
    %get3A_668 = vector.load %arg4[%get3A_666, %get3A_667] : memref<1x8192xf32, #tpu.memory_space<vmem>>, vector<1x128xf32>
    %add3A_669 = vector.broadcast %get3A_668 : vector<1x128xf32> to vector<1024x128xf32>
    %add3A_670 = arith.addf %sub3A_665, %add3A_669 : vector<1024x128xf32>
    %lt3A_671 = arith.cmpf olt, %add3A_670, %select_n3A_659 : vector<1024x128xf32>
    %select_n3A_672 = arith.select %lt3A_671, %add3A_670, %select_n3A_659 : vector<1024x128xi1>, vector<1024x128xf32>
    %jit3A_673 = arith.constant 1.700000e+01 : f32
    %broadcast_in_dim3A_674 = vector.broadcast %jit3A_673 : f32 to vector<1024x128xf32>
    %select_n3A_675 = arith.select %lt3A_671, %broadcast_in_dim3A_674, %select_n3A_662 : vector<1024x128xi1>, vector<1024x128xf32>
    %slice3A_676 = vector.extract_strided_slice %dot_general3A_5 {offsets = [0, 6400], sizes = [1024, 128], strides = [1, 1]} : vector<1024x8192xf32> to vector<1024x128xf32>
    %sub3A_677 = vector.broadcast %get3A_8 : vector<1024x1xf32> to vector<1024x128xf32>
    %sub3A_678 = arith.subf %sub3A_677, %slice3A_676 : vector<1024x128xf32>
    %get3A_679 = arith.constant 0 : index
    %get3A_680 = arith.constant 6400 : index
    %get3A_681 = vector.load %arg4[%get3A_679, %get3A_680] : memref<1x8192xf32, #tpu.memory_space<vmem>>, vector<1x128xf32>
    %add3A_682 = vector.broadcast %get3A_681 : vector<1x128xf32> to vector<1024x128xf32>
    %add3A_683 = arith.addf %sub3A_678, %add3A_682 : vector<1024x128xf32>
    %lt3A_684 = arith.cmpf olt, %add3A_683, %select_n3A_672 : vector<1024x128xf32>
    %select_n3A_685 = arith.select %lt3A_684, %add3A_683, %select_n3A_672 : vector<1024x128xi1>, vector<1024x128xf32>
    %jit3A_686 = arith.constant 1.800000e+01 : f32
    %broadcast_in_dim3A_687 = vector.broadcast %jit3A_686 : f32 to vector<1024x128xf32>
    %select_n3A_688 = arith.select %lt3A_684, %broadcast_in_dim3A_687, %select_n3A_675 : vector<1024x128xi1>, vector<1024x128xf32>
    %slice3A_689 = vector.extract_strided_slice %dot_general3A_5 {offsets = [0, 6528], sizes = [1024, 128], strides = [1, 1]} : vector<1024x8192xf32> to vector<1024x128xf32>
    %sub3A_690 = vector.broadcast %get3A_8 : vector<1024x1xf32> to vector<1024x128xf32>
    %sub3A_691 = arith.subf %sub3A_690, %slice3A_689 : vector<1024x128xf32>
    %get3A_692 = arith.constant 0 : index
    %get3A_693 = arith.constant 6528 : index
    %get3A_694 = vector.load %arg4[%get3A_692, %get3A_693] : memref<1x8192xf32, #tpu.memory_space<vmem>>, vector<1x128xf32>
    %add3A_695 = vector.broadcast %get3A_694 : vector<1x128xf32> to vector<1024x128xf32>
    %add3A_696 = arith.addf %sub3A_691, %add3A_695 : vector<1024x128xf32>
    %lt3A_697 = arith.cmpf olt, %add3A_696, %select_n3A_685 : vector<1024x128xf32>
    %select_n3A_698 = arith.select %lt3A_697, %add3A_696, %select_n3A_685 : vector<1024x128xi1>, vector<1024x128xf32>
    %jit3A_699 = arith.constant 1.900000e+01 : f32
    %broadcast_in_dim3A_700 = vector.broadcast %jit3A_699 : f32 to vector<1024x128xf32>
    %select_n3A_701 = arith.select %lt3A_697, %broadcast_in_dim3A_700, %select_n3A_688 : vector<1024x128xi1>, vector<1024x128xf32>
    %slice3A_702 = vector.extract_strided_slice %dot_general3A_5 {offsets = [0, 6656], sizes = [1024, 128], strides = [1, 1]} : vector<1024x8192xf32> to vector<1024x128xf32>
    %sub3A_703 = vector.broadcast %get3A_8 : vector<1024x1xf32> to vector<1024x128xf32>
    %sub3A_704 = arith.subf %sub3A_703, %slice3A_702 : vector<1024x128xf32>
    %get3A_705 = arith.constant 0 : index
    %get3A_706 = arith.constant 6656 : index
    %get3A_707 = vector.load %arg4[%get3A_705, %get3A_706] : memref<1x8192xf32, #tpu.memory_space<vmem>>, vector<1x128xf32>
    %add3A_708 = vector.broadcast %get3A_707 : vector<1x128xf32> to vector<1024x128xf32>
    %add3A_709 = arith.addf %sub3A_704, %add3A_708 : vector<1024x128xf32>
    %lt3A_710 = arith.cmpf olt, %add3A_709, %select_n3A_698 : vector<1024x128xf32>
    %select_n3A_711 = arith.select %lt3A_710, %add3A_709, %select_n3A_698 : vector<1024x128xi1>, vector<1024x128xf32>
    %jit3A_712 = arith.constant 2.000000e+01 : f32
    %broadcast_in_dim3A_713 = vector.broadcast %jit3A_712 : f32 to vector<1024x128xf32>
    %select_n3A_714 = arith.select %lt3A_710, %broadcast_in_dim3A_713, %select_n3A_701 : vector<1024x128xi1>, vector<1024x128xf32>
    %slice3A_715 = vector.extract_strided_slice %dot_general3A_5 {offsets = [0, 6784], sizes = [1024, 128], strides = [1, 1]} : vector<1024x8192xf32> to vector<1024x128xf32>
    %sub3A_716 = vector.broadcast %get3A_8 : vector<1024x1xf32> to vector<1024x128xf32>
    %sub3A_717 = arith.subf %sub3A_716, %slice3A_715 : vector<1024x128xf32>
    %get3A_718 = arith.constant 0 : index
    %get3A_719 = arith.constant 6784 : index
    %get3A_720 = vector.load %arg4[%get3A_718, %get3A_719] : memref<1x8192xf32, #tpu.memory_space<vmem>>, vector<1x128xf32>
    %add3A_721 = vector.broadcast %get3A_720 : vector<1x128xf32> to vector<1024x128xf32>
    %add3A_722 = arith.addf %sub3A_717, %add3A_721 : vector<1024x128xf32>
    %lt3A_723 = arith.cmpf olt, %add3A_722, %select_n3A_711 : vector<1024x128xf32>
    %select_n3A_724 = arith.select %lt3A_723, %add3A_722, %select_n3A_711 : vector<1024x128xi1>, vector<1024x128xf32>
    %jit3A_725 = arith.constant 2.100000e+01 : f32
    %broadcast_in_dim3A_726 = vector.broadcast %jit3A_725 : f32 to vector<1024x128xf32>
    %select_n3A_727 = arith.select %lt3A_723, %broadcast_in_dim3A_726, %select_n3A_714 : vector<1024x128xi1>, vector<1024x128xf32>
    %slice3A_728 = vector.extract_strided_slice %dot_general3A_5 {offsets = [0, 6912], sizes = [1024, 128], strides = [1, 1]} : vector<1024x8192xf32> to vector<1024x128xf32>
    %sub3A_729 = vector.broadcast %get3A_8 : vector<1024x1xf32> to vector<1024x128xf32>
    %sub3A_730 = arith.subf %sub3A_729, %slice3A_728 : vector<1024x128xf32>
    %get3A_731 = arith.constant 0 : index
    %get3A_732 = arith.constant 6912 : index
    %get3A_733 = vector.load %arg4[%get3A_731, %get3A_732] : memref<1x8192xf32, #tpu.memory_space<vmem>>, vector<1x128xf32>
    %add3A_734 = vector.broadcast %get3A_733 : vector<1x128xf32> to vector<1024x128xf32>
    %add3A_735 = arith.addf %sub3A_730, %add3A_734 : vector<1024x128xf32>
    %lt3A_736 = arith.cmpf olt, %add3A_735, %select_n3A_724 : vector<1024x128xf32>
    %select_n3A_737 = arith.select %lt3A_736, %add3A_735, %select_n3A_724 : vector<1024x128xi1>, vector<1024x128xf32>
    %jit3A_738 = arith.constant 2.200000e+01 : f32
    %broadcast_in_dim3A_739 = vector.broadcast %jit3A_738 : f32 to vector<1024x128xf32>
    %select_n3A_740 = arith.select %lt3A_736, %broadcast_in_dim3A_739, %select_n3A_727 : vector<1024x128xi1>, vector<1024x128xf32>
    %slice3A_741 = vector.extract_strided_slice %dot_general3A_5 {offsets = [0, 7040], sizes = [1024, 128], strides = [1, 1]} : vector<1024x8192xf32> to vector<1024x128xf32>
    %sub3A_742 = vector.broadcast %get3A_8 : vector<1024x1xf32> to vector<1024x128xf32>
    %sub3A_743 = arith.subf %sub3A_742, %slice3A_741 : vector<1024x128xf32>
    %get3A_744 = arith.constant 0 : index
    %get3A_745 = arith.constant 7040 : index
    %get3A_746 = vector.load %arg4[%get3A_744, %get3A_745] : memref<1x8192xf32, #tpu.memory_space<vmem>>, vector<1x128xf32>
    %add3A_747 = vector.broadcast %get3A_746 : vector<1x128xf32> to vector<1024x128xf32>
    %add3A_748 = arith.addf %sub3A_743, %add3A_747 : vector<1024x128xf32>
    %lt3A_749 = arith.cmpf olt, %add3A_748, %select_n3A_737 : vector<1024x128xf32>
    %select_n3A_750 = arith.select %lt3A_749, %add3A_748, %select_n3A_737 : vector<1024x128xi1>, vector<1024x128xf32>
    %jit3A_751 = arith.constant 2.300000e+01 : f32
    %broadcast_in_dim3A_752 = vector.broadcast %jit3A_751 : f32 to vector<1024x128xf32>
    %select_n3A_753 = arith.select %lt3A_749, %broadcast_in_dim3A_752, %select_n3A_740 : vector<1024x128xi1>, vector<1024x128xf32>
    %slice3A_754 = vector.extract_strided_slice %dot_general3A_5 {offsets = [0, 7168], sizes = [1024, 128], strides = [1, 1]} : vector<1024x8192xf32> to vector<1024x128xf32>
    %sub3A_755 = vector.broadcast %get3A_8 : vector<1024x1xf32> to vector<1024x128xf32>
    %sub3A_756 = arith.subf %sub3A_755, %slice3A_754 : vector<1024x128xf32>
    %get3A_757 = arith.constant 0 : index
    %get3A_758 = arith.constant 7168 : index
    %get3A_759 = vector.load %arg4[%get3A_757, %get3A_758] : memref<1x8192xf32, #tpu.memory_space<vmem>>, vector<1x128xf32>
    %add3A_760 = vector.broadcast %get3A_759 : vector<1x128xf32> to vector<1024x128xf32>
    %add3A_761 = arith.addf %sub3A_756, %add3A_760 : vector<1024x128xf32>
    %lt3A_762 = arith.cmpf olt, %add3A_761, %select_n3A_750 : vector<1024x128xf32>
    %select_n3A_763 = arith.select %lt3A_762, %add3A_761, %select_n3A_750 : vector<1024x128xi1>, vector<1024x128xf32>
    %jit3A_764 = arith.constant 2.400000e+01 : f32
    %broadcast_in_dim3A_765 = vector.broadcast %jit3A_764 : f32 to vector<1024x128xf32>
    %select_n3A_766 = arith.select %lt3A_762, %broadcast_in_dim3A_765, %select_n3A_753 : vector<1024x128xi1>, vector<1024x128xf32>
    %slice3A_767 = vector.extract_strided_slice %dot_general3A_5 {offsets = [0, 7296], sizes = [1024, 128], strides = [1, 1]} : vector<1024x8192xf32> to vector<1024x128xf32>
    %sub3A_768 = vector.broadcast %get3A_8 : vector<1024x1xf32> to vector<1024x128xf32>
    %sub3A_769 = arith.subf %sub3A_768, %slice3A_767 : vector<1024x128xf32>
    %get3A_770 = arith.constant 0 : index
    %get3A_771 = arith.constant 7296 : index
    %get3A_772 = vector.load %arg4[%get3A_770, %get3A_771] : memref<1x8192xf32, #tpu.memory_space<vmem>>, vector<1x128xf32>
    %add3A_773 = vector.broadcast %get3A_772 : vector<1x128xf32> to vector<1024x128xf32>
    %add3A_774 = arith.addf %sub3A_769, %add3A_773 : vector<1024x128xf32>
    %lt3A_775 = arith.cmpf olt, %add3A_774, %select_n3A_763 : vector<1024x128xf32>
    %select_n3A_776 = arith.select %lt3A_775, %add3A_774, %select_n3A_763 : vector<1024x128xi1>, vector<1024x128xf32>
    %jit3A_777 = arith.constant 2.500000e+01 : f32
    %broadcast_in_dim3A_778 = vector.broadcast %jit3A_777 : f32 to vector<1024x128xf32>
    %select_n3A_779 = arith.select %lt3A_775, %broadcast_in_dim3A_778, %select_n3A_766 : vector<1024x128xi1>, vector<1024x128xf32>
    %slice3A_780 = vector.extract_strided_slice %dot_general3A_5 {offsets = [0, 7424], sizes = [1024, 128], strides = [1, 1]} : vector<1024x8192xf32> to vector<1024x128xf32>
    %sub3A_781 = vector.broadcast %get3A_8 : vector<1024x1xf32> to vector<1024x128xf32>
    %sub3A_782 = arith.subf %sub3A_781, %slice3A_780 : vector<1024x128xf32>
    %get3A_783 = arith.constant 0 : index
    %get3A_784 = arith.constant 7424 : index
    %get3A_785 = vector.load %arg4[%get3A_783, %get3A_784] : memref<1x8192xf32, #tpu.memory_space<vmem>>, vector<1x128xf32>
    %add3A_786 = vector.broadcast %get3A_785 : vector<1x128xf32> to vector<1024x128xf32>
    %add3A_787 = arith.addf %sub3A_782, %add3A_786 : vector<1024x128xf32>
    %lt3A_788 = arith.cmpf olt, %add3A_787, %select_n3A_776 : vector<1024x128xf32>
    %select_n3A_789 = arith.select %lt3A_788, %add3A_787, %select_n3A_776 : vector<1024x128xi1>, vector<1024x128xf32>
    %jit3A_790 = arith.constant 2.600000e+01 : f32
    %broadcast_in_dim3A_791 = vector.broadcast %jit3A_790 : f32 to vector<1024x128xf32>
    %select_n3A_792 = arith.select %lt3A_788, %broadcast_in_dim3A_791, %select_n3A_779 : vector<1024x128xi1>, vector<1024x128xf32>
    %slice3A_793 = vector.extract_strided_slice %dot_general3A_5 {offsets = [0, 7552], sizes = [1024, 128], strides = [1, 1]} : vector<1024x8192xf32> to vector<1024x128xf32>
    %sub3A_794 = vector.broadcast %get3A_8 : vector<1024x1xf32> to vector<1024x128xf32>
    %sub3A_795 = arith.subf %sub3A_794, %slice3A_793 : vector<1024x128xf32>
    %get3A_796 = arith.constant 0 : index
    %get3A_797 = arith.constant 7552 : index
    %get3A_798 = vector.load %arg4[%get3A_796, %get3A_797] : memref<1x8192xf32, #tpu.memory_space<vmem>>, vector<1x128xf32>
    %add3A_799 = vector.broadcast %get3A_798 : vector<1x128xf32> to vector<1024x128xf32>
    %add3A_800 = arith.addf %sub3A_795, %add3A_799 : vector<1024x128xf32>
    %lt3A_801 = arith.cmpf olt, %add3A_800, %select_n3A_789 : vector<1024x128xf32>
    %select_n3A_802 = arith.select %lt3A_801, %add3A_800, %select_n3A_789 : vector<1024x128xi1>, vector<1024x128xf32>
    %jit3A_803 = arith.constant 2.700000e+01 : f32
    %broadcast_in_dim3A_804 = vector.broadcast %jit3A_803 : f32 to vector<1024x128xf32>
    %select_n3A_805 = arith.select %lt3A_801, %broadcast_in_dim3A_804, %select_n3A_792 : vector<1024x128xi1>, vector<1024x128xf32>
    %slice3A_806 = vector.extract_strided_slice %dot_general3A_5 {offsets = [0, 7680], sizes = [1024, 128], strides = [1, 1]} : vector<1024x8192xf32> to vector<1024x128xf32>
    %sub3A_807 = vector.broadcast %get3A_8 : vector<1024x1xf32> to vector<1024x128xf32>
    %sub3A_808 = arith.subf %sub3A_807, %slice3A_806 : vector<1024x128xf32>
    %get3A_809 = arith.constant 0 : index
    %get3A_810 = arith.constant 7680 : index
    %get3A_811 = vector.load %arg4[%get3A_809, %get3A_810] : memref<1x8192xf32, #tpu.memory_space<vmem>>, vector<1x128xf32>
    %add3A_812 = vector.broadcast %get3A_811 : vector<1x128xf32> to vector<1024x128xf32>
    %add3A_813 = arith.addf %sub3A_808, %add3A_812 : vector<1024x128xf32>
    %lt3A_814 = arith.cmpf olt, %add3A_813, %select_n3A_802 : vector<1024x128xf32>
    %select_n3A_815 = arith.select %lt3A_814, %add3A_813, %select_n3A_802 : vector<1024x128xi1>, vector<1024x128xf32>
    %jit3A_816 = arith.constant 2.800000e+01 : f32
    %broadcast_in_dim3A_817 = vector.broadcast %jit3A_816 : f32 to vector<1024x128xf32>
    %select_n3A_818 = arith.select %lt3A_814, %broadcast_in_dim3A_817, %select_n3A_805 : vector<1024x128xi1>, vector<1024x128xf32>
    %slice3A_819 = vector.extract_strided_slice %dot_general3A_5 {offsets = [0, 7808], sizes = [1024, 128], strides = [1, 1]} : vector<1024x8192xf32> to vector<1024x128xf32>
    %sub3A_820 = vector.broadcast %get3A_8 : vector<1024x1xf32> to vector<1024x128xf32>
    %sub3A_821 = arith.subf %sub3A_820, %slice3A_819 : vector<1024x128xf32>
    %get3A_822 = arith.constant 0 : index
    %get3A_823 = arith.constant 7808 : index
    %get3A_824 = vector.load %arg4[%get3A_822, %get3A_823] : memref<1x8192xf32, #tpu.memory_space<vmem>>, vector<1x128xf32>
    %add3A_825 = vector.broadcast %get3A_824 : vector<1x128xf32> to vector<1024x128xf32>
    %add3A_826 = arith.addf %sub3A_821, %add3A_825 : vector<1024x128xf32>
    %lt3A_827 = arith.cmpf olt, %add3A_826, %select_n3A_815 : vector<1024x128xf32>
    %select_n3A_828 = arith.select %lt3A_827, %add3A_826, %select_n3A_815 : vector<1024x128xi1>, vector<1024x128xf32>
    %jit3A_829 = arith.constant 2.900000e+01 : f32
    %broadcast_in_dim3A_830 = vector.broadcast %jit3A_829 : f32 to vector<1024x128xf32>
    %select_n3A_831 = arith.select %lt3A_827, %broadcast_in_dim3A_830, %select_n3A_818 : vector<1024x128xi1>, vector<1024x128xf32>
    %slice3A_832 = vector.extract_strided_slice %dot_general3A_5 {offsets = [0, 7936], sizes = [1024, 128], strides = [1, 1]} : vector<1024x8192xf32> to vector<1024x128xf32>
    %sub3A_833 = vector.broadcast %get3A_8 : vector<1024x1xf32> to vector<1024x128xf32>
    %sub3A_834 = arith.subf %sub3A_833, %slice3A_832 : vector<1024x128xf32>
    %get3A_835 = arith.constant 0 : index
    %get3A_836 = arith.constant 7936 : index
    %get3A_837 = vector.load %arg4[%get3A_835, %get3A_836] : memref<1x8192xf32, #tpu.memory_space<vmem>>, vector<1x128xf32>
    %add3A_838 = vector.broadcast %get3A_837 : vector<1x128xf32> to vector<1024x128xf32>
    %add3A_839 = arith.addf %sub3A_834, %add3A_838 : vector<1024x128xf32>
    %lt3A_840 = arith.cmpf olt, %add3A_839, %select_n3A_828 : vector<1024x128xf32>
    %select_n3A_841 = arith.select %lt3A_840, %add3A_839, %select_n3A_828 : vector<1024x128xi1>, vector<1024x128xf32>
    %jit3A_842 = arith.constant 3.000000e+01 : f32
    %broadcast_in_dim3A_843 = vector.broadcast %jit3A_842 : f32 to vector<1024x128xf32>
    %select_n3A_844 = arith.select %lt3A_840, %broadcast_in_dim3A_843, %select_n3A_831 : vector<1024x128xi1>, vector<1024x128xf32>
    %slice3A_845 = vector.extract_strided_slice %dot_general3A_5 {offsets = [0, 8064], sizes = [1024, 128], strides = [1, 1]} : vector<1024x8192xf32> to vector<1024x128xf32>
    %sub3A_846 = vector.broadcast %get3A_8 : vector<1024x1xf32> to vector<1024x128xf32>
    %sub3A_847 = arith.subf %sub3A_846, %slice3A_845 : vector<1024x128xf32>
    %get3A_848 = arith.constant 0 : index
    %get3A_849 = arith.constant 8064 : index
    %get3A_850 = vector.load %arg4[%get3A_848, %get3A_849] : memref<1x8192xf32, #tpu.memory_space<vmem>>, vector<1x128xf32>
    %add3A_851 = vector.broadcast %get3A_850 : vector<1x128xf32> to vector<1024x128xf32>
    %add3A_852 = arith.addf %sub3A_847, %add3A_851 : vector<1024x128xf32>
    %lt3A_853 = arith.cmpf olt, %add3A_852, %select_n3A_841 : vector<1024x128xf32>
    %select_n3A_854 = arith.select %lt3A_853, %add3A_852, %select_n3A_841 : vector<1024x128xi1>, vector<1024x128xf32>
    %jit3A_855 = arith.constant 3.100000e+01 : f32
    %broadcast_in_dim3A_856 = vector.broadcast %jit3A_855 : f32 to vector<1024x128xf32>
    %select_n3A_857 = arith.select %lt3A_853, %broadcast_in_dim3A_856, %select_n3A_844 : vector<1024x128xi1>, vector<1024x128xf32>
    %iota3A_858 = tpu.iota {dimensions = array<i32: 1>} : vector<1024x128xi32>
    %convert_element_type3A_859 = arith.sitofp %iota3A_858 : vector<1024x128xi32> to vector<1024x128xf32>
    %mul3A_860 = arith.constant 1.280000e+02 : f32
    %mul3A_861 = vector.broadcast %mul3A_860 : f32 to vector<1024x128xf32>
    %mul3A_862 = arith.mulf %select_n3A_857, %mul3A_861 : vector<1024x128xf32>
    %add3A_863 = arith.addf %mul3A_862, %convert_element_type3A_859 : vector<1024x128xf32>
    %reduce_min3A_864 = arith.constant dense<0x7F800000> : vector<1024xf32>
    %reduce_min3A_865 = vector.multi_reduction <minimumf>, %select_n3A_854, %reduce_min3A_864 [1] : vector<1024x128xf32> to vector<1024xf32>
    %broadcast_in_dim3A_866 = vector.shape_cast %reduce_min3A_865 : vector<1024xf32> to vector<1024x1xf32>
    %eq3A_867 = vector.broadcast %broadcast_in_dim3A_866 : vector<1024x1xf32> to vector<1024x128xf32>
    %eq3A_868 = arith.cmpf oeq, %select_n3A_854, %eq3A_867 : vector<1024x128xf32>
    %jit3A_869 = arith.constant 4.096000e+03 : f32
    %broadcast_in_dim3A_870 = vector.broadcast %jit3A_869 : f32 to vector<1024x128xf32>
    %select_n3A_871 = arith.select %eq3A_868, %add3A_863, %broadcast_in_dim3A_870 : vector<1024x128xi1>, vector<1024x128xf32>
    %reduce_min3A_872 = arith.constant dense<0x7F800000> : vector<1024xf32>
    %reduce_min3A_873 = vector.multi_reduction <minimumf>, %select_n3A_871, %reduce_min3A_872 [1] : vector<1024x128xf32> to vector<1024xf32>
    %broadcast_in_dim3A_874 = vector.shape_cast %reduce_min3A_873 : vector<1024xf32> to vector<1024x1xf32>
    %convert_element_type3A_875 = arith.fptosi %broadcast_in_dim3A_874 : vector<1024x1xf32> to vector<1024x1xi32>
    %add3A_876 = arith.constant 4096 : i32
    %add3A_877 = vector.broadcast %add3A_876 : i32 to vector<1024x1xi32>
    %add3A_878 = arith.addi %convert_element_type3A_875, %add3A_877 : vector<1024x1xi32>
    %convert_element_type3A_879 = arith.truncf %broadcast_in_dim3A_426 : vector<1024x1xf32> to vector<1024x1xbf16>
    %convert_element_type3A_880 = arith.extf %convert_element_type3A_879 : vector<1024x1xbf16> to vector<1024x1xf32>
    %lt3A_881 = arith.cmpf olt, %broadcast_in_dim3A_866, %convert_element_type3A_880 : vector<1024x1xf32>
    %select_n3A_882 = arith.select %lt3A_881, %add3A_878, %add3A_437 : vector<1024x1xi1>, vector<1024x1xi32>
    %select_n3A_883 = arith.select %lt3A_881, %broadcast_in_dim3A_866, %broadcast_in_dim3A_426 : vector<1024x1xi1>, vector<1024x1xf32>
    %swap3A = arith.constant 0 : index
    %swap3A_884 = arith.constant 0 : index
    %swap3A_885 = vector.load %arg5[%swap3A, %swap3A_884] : memref<1024x1xi32, #tpu.memory_space<vmem>>, vector<1024x1xi32>
    tpu.vector_store %arg5[%swap3A, %swap3A_884], %select_n3A_882 {strides = array<i32>} : memref<1024x1xi32, #tpu.memory_space<vmem>>, vector<1024x1xi32>,
    %reduce_sum3A = vector.shape_cast %select_n3A_883 : vector<1024x1xf32> to vector<1x1024x1xf32>
    %reduce_sum3A_886 = arith.constant dense<0.000000e+00> : vector<1xf32>
    %reduce_sum3A_887 = vector.multi_reduction <add>, %reduce_sum3A, %reduce_sum3A_886 [1, 2] : vector<1x1024x1xf32> to vector<1xf32>
    %reduce_sum3A_888 = vector.shape_cast %reduce_sum3A_887 : vector<1xf32> to vector<1x1x1xf32>
    %reduce_sum3A_889 = vector.extract %reduce_sum3A_888[0, 0, 0] : f32 from vector<1x1x1xf32>
    %eq3A_890 = arith.constant 0 : i32
    %eq3A_891 = arith.cmpi eq, %arg0, %eq3A_890 : i32
    %convert_element_type3A_892 = arith.extui %eq3A_891 : i1 to i32
    %cond3A = arith.constant 0 : i32
    %cond3A_893 = arith.cmpi ne, %convert_element_type3A_892, %cond3A : i32
    scf.if %cond3A_893 {
      %swap3A_903 = arith.constant 0 : index
      %swap3A_904 = memref.load %arg7[%swap3A_903] : memref<1xf32, #tpu.memory_space<smem>>
      memref.store %reduce_sum3A_889, %arg7[%swap3A_903] : memref<1xf32, #tpu.memory_space<smem>>
    } else {
    }
    %gt3A = arith.constant 0 : i32
    %gt3A_894 = arith.cmpi sgt, %arg0, %gt3A : i32
    %convert_element_type3A_895 = arith.extui %gt3A_894 : i1 to i32
    %cond3A_896 = arith.constant 0 : i32
    %cond3A_897 = arith.cmpi ne, %convert_element_type3A_895, %cond3A_896 : i32
    scf.if %cond3A_897 {
      %get3A_903 = arith.constant 0 : index
      %get3A_904 = memref.load %arg7[%get3A_903] : memref<1xf32, #tpu.memory_space<smem>>
      %add3A_905 = arith.addf %get3A_904, %reduce_sum3A_889 : f32
      %swap3A_906 = arith.constant 0 : index
      %swap3A_907 = memref.load %arg7[%swap3A_906] : memref<1xf32, #tpu.memory_space<smem>>
      memref.store %add3A_905, %arg7[%swap3A_906] : memref<1xf32, #tpu.memory_space<smem>>
    } else {
    }
    %eq3A_898 = arith.constant 7 : i32
    %eq3A_899 = arith.cmpi eq, %arg0, %eq3A_898 : i32
    %convert_element_type3A_900 = arith.extui %eq3A_899 : i1 to i32
    %cond3A_901 = arith.constant 0 : i32
    %cond3A_902 = arith.cmpi ne, %convert_element_type3A_900, %cond3A_901 : i32
    scf.if %cond3A_902 {
      %get3A_903 = arith.constant 0 : index
      %get3A_904 = memref.load %arg7[%get3A_903] : memref<1xf32, #tpu.memory_space<smem>>
      %broadcast_in_dim3A_905 = vector.broadcast %get3A_904 : f32 to vector<1x1xf32>
      %swap3A_906 = arith.constant 0 : index
      %swap3A_907 = arith.constant 0 : index
      %swap3A_908 = vector.load %arg6[%swap3A_906, %swap3A_907] : memref<1x1xf32, #tpu.memory_space<vmem>>, vector<1x1xf32>
      tpu.vector_store %arg6[%swap3A_906, %swap3A_907], %broadcast_in_dim3A_905 {strides = array<i32>} : memref<1x1xf32, #tpu.memory_space<vmem>>, vector<1x1xf32>,
    } else {
    }
    return
  }
  func.func @transform_0(%arg0: i32) -> (i32, i32) {
    %c0_i32 = arith.constant 0 : i32
    %c0_i32_0 = arith.constant 0 : i32
    return %arg0, %c0_i32 : i32, i32
  }
  func.func @transform_1(%arg0: i32) -> (i32, i32) {
    %c0_i32 = arith.constant 0 : i32
    %c0_i32_0 = arith.constant 0 : i32
    return %arg0, %c0_i32 : i32, i32
  }
  func.func @transform_2(%arg0: i32) -> (i32, i32) {
    %c0_i32 = arith.constant 0 : i32
    %c0_i32_0 = arith.constant 0 : i32
    %c0_i32_1 = arith.constant 0 : i32
    return %c0_i32, %c0_i32_0 : i32, i32
  }
  func.func @transform_3(%arg0: i32) -> (i32, i32) {
    %c0_i32 = arith.constant 0 : i32
    %c0_i32_0 = arith.constant 0 : i32
    %c0_i32_1 = arith.constant 0 : i32
    return %c0_i32, %c0_i32_0 : i32, i32
  }
  func.func @transform_4(%arg0: i32) -> (i32, i32) {
    %c0_i32 = arith.constant 0 : i32
    %c0_i32_0 = arith.constant 0 : i32
    return %arg0, %c0_i32 : i32, i32
  }
  func.func @transform_5(%arg0: i32) -> (i32, i32) {
    %c0_i32 = arith.constant 0 : i32
    %c0_i32_0 = arith.constant 0 : i32
    %c0_i32_1 = arith.constant 0 : i32
    return %c0_i32, %c0_i32_0 : i32, i32
  }
}

</mosaic_0001>

<sc_bundles>
// kernel: kernel.4.cloned.1.call-start
scs
__scs_entry_jumppad:
0x0: {  	(pc) =	sbr.rel $0x88, $3  }
0x1: {  	(tag) =	ssettag $0x0;
	lr =	simm.s32 $0x1  }
0x2: {  	[smem:$0x3F9F] =	sst lr;
	_ =	strace $0xD0000000  }
0x3: {  	_ = 	snop  }
0x4: {  	_ = 	snop  }
0x5: {  	_ = 	snop  }
0x6: {  	_ = 	snop  }
0x7: {  	_ = 	snop  }
__scs_overlays_trampoline_lowered:
0x8: {  	[smem:$0x3FAE] =	sst s0  }
0x9: {  	[smem:$0x3FAF] =	sst s1  }
0xa: {  	[smem:$0x3FB0] =	sst s2  }
0xb: {  	[smem:$0x3FB1] =	sst s3  }
0xc: {  	[smem:$0x3FB2] =	sst s4  }
0xd: {  	[smem:$0x3FB3] =	sst s5  }
0xe: {  	[smem:$0x3FB4] =	sst s6  }
0xf: {  	[smem:$0x3FB5] =	sst s7  }
0x10: {  	[smem:$0x3FB6] =	sst s8  }
0x11: {  	[smem:$0x3FB7] =	sst s9;
	s0 =	simm.s32 @!p0 $0x0  }
0x12: {  	s1 =	sld [smem:$0x3F9D];
	s0 =	simm.s32 @p0 $0x1  }
0x13: {  	[smem:$0x3FB8] =	sst s0;
	s0 =	simm.s32 @!p1 $0x0  }
0x14: {  	s2 =	sld [smem:$0x3F9C];
	s0 =	simm.s32 @p1 $0x1  }
0x15: {  	[smem:$0x3FB9] =	sst s0;
	s0 =	simm.s32 @!p2 $0x0  }
0x16: {  	s3 =	sld [smem:$0x3FDB];
	s0 =	simm.s32 @p2 $0x1  }
0x17: {  	s4 =	simm.s32 $0x1BF5;
	[smem:$0x3FBB] =	sst s0  }
0x18: {  	s0 =	sld [smem:$0x3F9E];
	_ =	swait.ge [sflag:s4], $0x0  }
0x19: {  	s7 =	sld [smem:$0x3F9F]  }
0x1a: {  	s8 =	sadd.s32 $0xFFFFE003, lr  }
0x1b: {  	s9 =	sadd.s32 $0xFFFFFEF7, lr;
	s5 =	simm.s32 $0xFFFFFFFF;
	p2 =	slt.u32 s8, $0xFFFFF086  }
0x1c: {  	p1 =	slt.u32 s9, $0xF7A;
	s5 =	simm.s32 @!p2 $0x0  }
0x1d: {  	s5 =	simm.s32 @p1 $0x1;
	p0 =	seq.s32 s7, s2  }
0x1e: {  	s7 =	smul.u32 @!p0 $0xF7A, s2;
	p2 =	seq.s32 @!p0 s5, $0x0  }
0x1f: {  	s9 =	smul.u32 $0xF7A, s1;
	s8 =	simm.s32 @!p0 $0x1BF5;
	p2 =	por !p2, p0  }
0x20: {  	[sflag:s8] =	ssyncset.s32 @!p0 $0xFFFFF086;
	s6 =	sadd.s32 @!p0 s3, s7;
	s7 =	simm.s32 @!p0 $0x108  }
0x21: {  	s3 =	sadd.s32 s3, s9;
	s6 =	sadd.s32 @!p0 $0x88, s6;
	s7 =	simm.s32 @p2 $0x1082  }
0x22: {  	[simem:s7], [sflag:s8] =	dma.local @!p0 [hbm:s6], $0xF7A  }
0x23: {  	s9 =	sor.u32 $0xD0000000, s2;
	s6 =	simm.s32 $0x108;
	_ =	swait.ge @!p0 [sflag:s8], $0x0  }
0x24: {  	s3 =	sadd.s32 $0x88, s3;
	s6 =	simm.s32 @!p1 $0x1082;
	[sflag:s4] =	ssyncset.s32 $0xFFFFF086  }
0x25: {  	[simem:s6], [sflag:s4] =	dma.local [hbm:s3], $0xF7A  }
0x26: {  	[smem:$0x3F9F] =	sst s1;
	(tag) =	ssettag s2;
	_ =	strace s9  }
0x27: {  	s1 =	sld [smem:$0x3FAF]  }
0x28: {  	s2 =	sld [smem:$0x3FB0]  }
0x29: {  	s4 =	sld [smem:$0x3FB2]  }
0x2a: {  	p0 =	seq.s32 s5, $0x0;
	s5 =	sld [smem:$0x3FB3]  }
0x2b: {  	s6 =	sld [smem:$0x3FB4]  }
0x2c: {  	s7 =	sld [smem:$0x3FB5]  }
0x2d: {  	s3 =	simm.s32 $0x108;
	s8 =	sld [smem:$0x3FB6]  }
0x2e: {  	s3 =	simm.s32 @!p0 $0x1082;
	s9 =	sld [smem:$0x3FB7]  }
0x2f: {  	lr =	sadd.s32 s0, s3;
	s0 =	sld [smem:$0x3FAE]  }
0x30: {  	s3 =	sld [smem:$0x3FB1]  }
0x31: {  	[smem:$0x3FBA] =	sst s10  }
0x32: {  	s10 =	sld [smem:$0x3FB8];
	_ =	sdelay $0x3  }
0x33: {  	p0 =	seq.s32 s10, $0x1;
	s10 =	sld [smem:$0x3FBA];
	_ =	sdelay $0x3  }
0x34: {  	[smem:$0x3FBA] =	sst s10  }
0x35: {  	s10 =	sld [smem:$0x3FB9];
	_ =	sdelay $0x3  }
0x36: {  	p1 =	seq.s32 s10, $0x1;
	s10 =	sld [smem:$0x3FBA];
	_ =	sdelay $0x3  }
0x37: {  	[smem:$0x3FBA] =	sst s10  }
0x38: {  	s10 =	sld [smem:$0x3FBB]  }
0x39: {  	_ = 	snop;
	(pc) =	sbr.ind lr, $3  }
0x3a: {  	_ = 	snop  }
0x3b: {  	_ = 	snop  }
0x3c: {  	p2 =	seq.s32 s10, $0x1;
	s10 =	sld [smem:$0x3FBA]  }
0x3d: {  	_ =	shalt  }
0x3e: {  	_ =	shalt  }
0x3f: {  	_ =	shalt  }
0x40: {  	_ =	shalt  }
0x41: {  	_ =	shalt  }
0x42: {  	_ =	shalt  }
0x43: {  	_ =	shalt  }
0x44: {  	_ =	shalt  }
0x45: {  	_ =	shalt  }
0x46: {  	_ =	shalt  }
0x47: {  	_ =	shalt  }
0x48: {  	_ =	shalt  }
0x49: {  	_ =	shalt  }
0x4a: {  	_ =	shalt  }
0x4b: {  	_ =	shalt  }
0x4c: {  	_ =	shalt  }
0x4d: {  	_ =	shalt  }
0x4e: {  	_ =	shalt  }
0x4f: {  	_ =	shalt  }
0x50: {  	_ =	shalt  }
0x51: {  	_ =	shalt  }
0x52: {  	_ =	shalt  }
0x53: {  	_ =	shalt  }
0x54: {  	_ =	shalt  }
0x55: {  	_ =	shalt  }
0x56: {  	_ =	shalt  }
0x57: {  	_ =	shalt  }
0x58: {  	_ =	shalt  }
0x59: {  	_ =	shalt  }
0x5a: {  	_ =	shalt  }
0x5b: {  	_ =	shalt  }
0x5c: {  	_ =	shalt  }
0x5d: {  	_ =	shalt  }
0x5e: {  	_ =	shalt  }
0x5f: {  	_ =	shalt  }
0x60: {  	_ =	shalt  }
0x61: {  	_ =	shalt  }
0x62: {  	_ =	shalt  }
0x63: {  	_ =	shalt  }
0x64: {  	_ =	shalt  }
0x65: {  	_ =	shalt  }
0x66: {  	_ =	shalt  }
0x67: {  	_ =	shalt  }
0x68: {  	_ =	shalt  }
0x69: {  	_ =	shalt  }
0x6a: {  	_ =	shalt  }
0x6b: {  	_ =	shalt  }
0x6c: {  	_ =	shalt  }
0x6d: {  	_ =	shalt  }
0x6e: {  	_ =	shalt  }
0x6f: {  	_ =	shalt  }
0x70: {  	_ =	shalt  }
0x71: {  	_ =	shalt  }
0x72: {  	_ =	shalt  }
0x73: {  	_ =	shalt  }
0x74: {  	_ =	shalt  }
0x75: {  	_ =	shalt  }
0x76: {  	_ =	shalt  }
0x77: {  	_ =	shalt  }
0x78: {  	_ =	shalt  }
0x79: {  	_ =	shalt  }
0x7a: {  	_ =	shalt  }
0x7b: {  	_ =	shalt  }
0x7c: {  	_ =	shalt  }
0x7d: {  	_ =	shalt  }
0x7e: {  	_ =	shalt  }
0x7f: {  	_ =	shalt  }
0x80: {  	_ =	shalt  }
0x81: {  	_ =	shalt  }
0x82: {  	_ =	shalt  }
0x83: {  	_ =	shalt  }
0x84: {  	_ =	shalt  }
0x85: {  	_ =	shalt  }
0x86: {  	_ =	shalt  }
0x87: {  	_ =	shalt  }
.Lfunc_end0:
.L_simem_size_0:
called_computation_lowered:
.L_overlay_start_0:
0x88: {  	s2 =	sld [smem:$0x3FD9]  }
0x89: {  	s3 =	sld [smem:$0x3FFE];
	_ =	sdelay $0x1  }
0x8a: {  	s1 =	srdreg.scid  }
0x8b: {  	s0 =	sand.u32 $0x1, s1  }
0x8c: {  	s14 =	sshll.u32 s0, $0xA;
	s2 =	sadd.s32 s3, s2  }
0x8d: {  	s2 =	sadd.s32 s2, s14  }
0x8e: {  	[smem:$0x3FC6] =	sst s2  }
0x8f: {  	_ = 	snop  }
0x90: {  	s2 =	sld [smem:$0x3FD0];
	_ =	sdelay $0x2  }
0x91: {  	s4 =	simm.s32 $0xA;
	s5 =	simm.s32 $0x10;
	s15 =	sld [smem:$0x3FC8]  }
0x92: {  	[smem:s5], [sflag:s4] =	dma.local [hbm:s2], $0x1  }
0x93: {  	_ =	swait.eq [sflag:s4], $0x1  }
0x94: {  	[sflag:s4] =	ssyncset.done $0x0  }
0x95: {  	[sflag:s4] =	ssyncadd.s32 $0xFFFFFFFF  }
0x96: {  	s16 =	sld [smem:$0x10];
	(tm) =	ssettm $0x1  }
0x97: {  	s17 =	sld [smem:$0x3FFB];
	_ =	sdelay $0x3  }
0x98: {  	_ =	strace s17  }
0x99: {  	s4 =	sld [smem:$0x3FFC];
	_ =	sdelay $0x3  }
0x9a: {  	_ =	strace s4  }
0x9b: {  	s4 =	sld [smem:$0x3FFD];
	_ =	sdelay $0x3  }
0x9c: {  	_ =	strace s4  }
0x9d: {  	_ =	strace $0x8FFFFFFF  }
0x9e: {  	s18 =	sld [smem:$0x3FDB];
	_ =	sdelay $0x1  }
0x9f: {  	s19 =	simm.s32 $_scs_section_size  }
0xa0: {  	s6 =	simm.s32 $_size__tile_overlayer_lowered;
	s7 =	simm.s32 $_tile_overlayer_lowered  }
0xa1: {  	s22 =	simm.s32 $0x1BFF;
	s21 =	sshll.u32 s7, $0x1;
	s4 =	sadd.s32 s19, s18  }
0xa2: {  	s8 =	simm.s32 $0x0;
	s20 =	sshll.u32 s6, $0x1;
	s6 =	sadd.s32 s21, s4  }
0xa3: {  	[timem:s8], [sflag:s22] =	dma.local [hbm:s6], s20  }
0xa4: {  	_ =	swait.ge [sflag:s22], s20  }
0xa5: {  	s5 =	ssub.s32 $0x0, s20;
	[sflag:s22] =	ssyncset.done $0x0  }
0xa6: {  	[sflag:s22] =	ssyncadd.s32 s5;
	_ =	sdelay $0x1  }
0xa7: {  	s23 =	simm.s32 $0x1B8B  }
0xa8: {  	_ =	swait.ge [sflag:s23], $0x1  }
0xa9: {  	[sflag:s23] =	ssyncset.done $0x0  }
0xaa: {  	s25 =	simm.s32 $0x1B8E;
	s24 =	sld [smem:$0x3FFE];
	[sflag:s23] =	ssyncadd.s32 $0xFFFFFFFF  }
0xab: {  	s26 =	simm.s32 $execute0_lowered;
	[smem:$0x3FD2] =	sst s25  }
0xac: {  	s6 =	sshll.u32 s26, $0x1;
	_ =	strace $0x80000046;
	[dreg:$0x1] =	wrdreg $0xFFFFFFFF  }
0xad: {  	s28 =	simm.s32 $_size_execute0_lowered;
	s4 =	sadd.s32 s4, s6;
	[dreg:$0x0] =	wrdreg $0x0  }
0xae: {  	s6 =	sshll.u32 s28, $0x1;
	[dreg:$0x2] =	wrdreg s4  }
0xaf: {  	[dreg:$0x3] =	wrdreg s6  }
0xb0: {  	[dreg:$0x4] =	wrdreg $0xC0  }
0xb1: {  	_ =	task [dreg:s8], $0x5FFFF  }
0xb2: {  	[dreg:$0x1] =	wrdreg $0xFFFFFFFF  }
0xb3: {  	[dreg:$0x0] =	wrdreg $0x60  }
0xb4: {  	[dreg:$0x2] =	wrdreg s15  }
0xb5: {  	[dreg:$0x3] =	wrdreg s24  }
0xb6: {  	[dreg:$0x4] =	wrdreg s16  }
0xb7: {  	[dreg:$0x5] =	wrdreg $0x9  }
0xb8: {  	_ =	task.clear_ibuf [dreg:s8], $0x6FFFF;
	_ =	strace $0x90000046  }
0xb9: {  	s29 =	simm.s32 $0x9;
	_ =	strace $0x80000048  }
0xba: {  	_ =	swait.ge [sflag:s29], $0x1  }
0xbb: {  	[sflag:s29] =	ssyncadd.s32 $0xFFFFFFFF  }
0xbc: {  	_ =	strace $0x90000048  }
0xbd: {  	_ =	sfence  }
0xbe: {  	s30 =	sld [smem:$0x0];
	_ =	sdelay $0x2  }
0xbf: {  	s31 =	sshll.u32 s1, $0xD;
	s1 =	sshrl.u32 s1, $0x2  }
0xc0: {  	s3 =	sand.u32 $0x4000, s31;
	s1 =	sadd.s32 s1, s30  }
0xc1: {  	s0 =	sor.u32 s3, s0;
	s1 =	sshll.u32 s1, $0x11  }
0xc2: {  	s0 =	sor.u32 s1, s0  }
0xc3: {  	s0 =	sadd.s32 $0x8F2B, s0  }
0xc4: {  	[sflag:s0] =	ssyncadd.remote.s32 $0x1  }
0xc5: {  	_ =	sfence.sel $0xFFFF  }
0xc6: {  	[dreg:$0x0] =	wrdreg $0xFFFFFFFF;
	(pc) =	sbr.abs _section_cstart, $3  }
0xc7: {  	[dreg:$0x1] =	wrdreg $0xFFFFFFFF  }
0xc8: {  	_ =	task.clear_ibuf [dreg:s8], $0x2FFFF;
	_ =	strace $0x9FFFFFFF  }
0xc9: {  	(tm) =	ssettm $0x7FFFFFFF  }
tec
execute0_lowered:
.L_overlay_start_1:
0x0: {  	(tag) =	ssettag $0x1  }
0x1: {  	s2 =	srdreg.scid;
	s1 =	rddreg [dreg:$0x0]  }
0x2: {  	s0 =	stileid.u32;
	s4 =	rddreg [dreg:$0x1]  }
0x3: {  	s6 =	rddreg [dreg:$0x2];
	s18 =	simm.s32 $0x900;
	s19 =	simm.s32 $0x1100  }
0x4: {  	s20 =	simm.s32 $0x1900;
	s21 =	simm.s32 $0x2100;
	s23 =	simm.s32 $0x2900  }
0x5: {  	s24 =	simm.s32 $0x3100;
	s25 =	simm.s32 $0x3900;
	s26 =	simm.s32 $0x4100  }
0x6: {  	s8 =	simm.s32 $0x5100;
	s9 =	simm.s32 $0x5900;
	s10 =	simm.s32 $0x6100  }
0x7: {  	s11 =	simm.s32 $0x6900;
	s12 =	simm.s32 $0x7100;
	s2 =	sand.u32 $0x1, s2  }
0x8: {  	s13 =	simm.s32 $0x7900;
	s3 =	sshll.u32 s0, $0x9;
	s5 =	sshll.u32 s2, $0x8  }
0x9: {  	s14 =	simm.s32 $0x1;
	s5 =	sor.u32 s5, s3;
	s3 =	simm.s32 $0x0  }
0xa: {  	s15 =	simm.s32 $0x80;
	s16 =	simm.s32 $0x8100;
	[smem:$0x7FF] =	sst s3  }
0xb: {  	s28 =	simm.s32 $0xD900;
	_ =	strace $0x80000047;
	[dreg:$0x7] =	wrdreg s18  }
0xc: {  	s29 =	simm.s32 $0xE100;
	s30 =	simm.s32 $0xE900;
	[dreg:$0x8] =	wrdreg s19  }
0xd: {  	s31 =	simm.s32 $0xF100;
	s2 =	ssub.s32 $0x2, s2;
	[dreg:$0x9] =	wrdreg s20  }
0xe: {  	s22 =	sshrl.u32 s2, $0x1;
	s7 =	sshrl.u32 s5, $0x3;
	[dreg:$0xa] =	wrdreg s21  }
0xf: {  	s5 =	sshll.u32 s5, $0x5;
	s2 =	ssub.s32 s2, s22;
	[dreg:$0xb] =	wrdreg s23  }
0x10: {  	s22 =	simm.s32 $0xB100;
	s4 =	sadd.s32 s7, s4;
	[dreg:$0xc] =	wrdreg s24  }
0x11: {  	s17 =	sadd.s32 s6, s5;
	s5 =	simm.s32 $0x2;
	[dreg:$0xd] =	wrdreg s25  }
0x12: {  	s6 =	simm.s32 $0x100;
	[dreg:$0xe] =	wrdreg s26;
	s18 =	simm.s32 $0x9100  }
0x13: {  	s19 =	simm.s32 $0x9900;
	s20 =	simm.s32 $0xA100;
	s21 =	simm.s32 $0xA900  }
0x14: {  	s23 =	simm.s32 $0xB900;
	s24 =	simm.s32 $0xC100;
	s25 =	simm.s32 $0xC900  }
0x15: {  	v2 =	vlaneseq.u32;
	s26 =	simm.s32 $0xD100;
	s7 =	sadd.s32 $0x800, s4;
	[dreg:$0x6] =	wrdreg s17  }
0x16: {  	vm0 =	vmmov $0xffff;
	v1 =	vshrl.u32 v2, $0x3;
	s4 =	sadd.s32 $0x810, s4;
	s17 =	simm.s32 $0x8900;
	[dreg:$0x4] =	wrdreg s7  }
0x17: {  	v0 =	vand.u32 $0x7, v2;
	v2 =	vor.u32 $0x8, v2;
	v1 =	vmul.u32 $0x8, v1;
	[dreg:$0x5] =	wrdreg s4;
	s4 =	smax.u32 s2, $0x1;
	s2 =	simm.s32 $0xF900  }
.LBB2_1:
0x18: {  	s0 =	rddreg [dreg:$0x4]  }
0x19: {  	[tilespmem:s3], [sflag:$0x2] =	stream.linear.gather [hbm4b:s0+s3], $0x80, $0x38;
	[tilespmem:$0x10100] =	vst v63  }
0x1a: {  	_ =	swait.ge [sflag:s5], $0x80  }
0x1b: {  	[sflag:s5] =	ssyncset.done $0x0  }
0x1c: {  	[sflag:s5] =	ssyncadd.s32 $0xFFFFFF80  }
0x1d: {  	v3 =	vld [tilespmem:$0x0];
	_ =	sdelay $0x4  }
0x1e: {  	v4 =	vshll.u32 v3, $0x1  }
0x1f: {  	v3 =	vand.u32 $0x7, v3;
	v4 =	vand.u32 $0xFFFFFFF0, v4  }
0x20: {  	v3 =	vor.u32 v3, v4  }
0x21: {  	v4 =	vperm.xlane v3, v0;
	_ =	sdelay $0x1  }
0x22: {  	v3 =	vperm.xlane v3, v2;
	v4 =	vadd.s32 v1, v4;
	_ =	sdelay $0x1  }
0x23: {  	v3 =	vadd.s32 v1, v3;
	_ =	sdelay $0x2  }
0x24: {  	[tilespmem:s6], [sflag:$0x1] =	stream.indirect_vreg.gather [hbm4b:s1+s3], $0x80, v4, vm0, $0xb8;
	[tilespmem:$0x10100] =	vst v63  }
0x25: {  	s7 =	rddreg [dreg:$0x7]  }
0x26: {  	[tilespmem:s7], [sflag:$0x1] =	stream.indirect_vreg.gather [hbm4b:s1+s3], $0x80, v3, vm0, $0xb8;
	[tilespmem:$0x10100] =	vst v63  }
0x27: {  	v3 =	vld [tilespmem:$0x10];
	_ =	sdelay $0x4  }
0x28: {  	v49 =	vshll.u32 v3, $0x1  }
0x29: {  	v3 =	vand.u32 $0x7, v3;
	v4 =	vand.u32 $0xFFFFFFF0, v49  }
0x2a: {  	v3 =	vor.u32 v3, v4  }
0x2b: {  	v4 =	vperm.xlane v3, v0;
	_ =	sdelay $0x1  }
0x2c: {  	v3 =	vperm.xlane v3, v2;
	v4 =	vadd.s32 v1, v4;
	_ =	sdelay $0x1  }
0x2d: {  	v3 =	vadd.s32 v1, v3;
	_ =	sdelay $0x1  }
0x2e: {  	s0 =	rddreg [dreg:$0x8]  }
0x2f: {  	[tilespmem:s0], [sflag:$0x1] =	stream.indirect_vreg.gather [hbm4b:s1+s3], $0x80, v4, vm0, $0xb8;
	[tilespmem:$0x10100] =	vst v63  }
0x30: {  	s7 =	rddreg [dreg:$0x9]  }
0x31: {  	[tilespmem:s7], [sflag:$0x1] =	stream.indirect_vreg.gather [hbm4b:s1+s3], $0x80, v3, vm0, $0xb8;
	[tilespmem:$0x10100] =	vst v63  }
0x32: {  	v3 =	vld [tilespmem:$0x20];
	_ =	sdelay $0x4  }
0x33: {  	v50 =	vshll.u32 v3, $0x1  }
0x34: {  	v3 =	vand.u32 $0x7, v3;
	v4 =	vand.u32 $0xFFFFFFF0, v50  }
0x35: {  	v3 =	vor.u32 v3, v4  }
0x36: {  	v4 =	vperm.xlane v3, v0;
	_ =	sdelay $0x1  }
0x37: {  	v3 =	vperm.xlane v3, v2;
	v4 =	vadd.s32 v1, v4;
	_ =	sdelay $0x1  }
0x38: {  	v3 =	vadd.s32 v1, v3;
	_ =	sdelay $0x1  }
0x39: {  	s0 =	rddreg [dreg:$0xa]  }
0x3a: {  	[tilespmem:s0], [sflag:$0x1] =	stream.indirect_vreg.gather [hbm4b:s1+s3], $0x80, v4, vm0, $0xb8;
	[tilespmem:$0x10100] =	vst v63  }
0x3b: {  	s7 =	rddreg [dreg:$0xb]  }
0x3c: {  	[tilespmem:s7], [sflag:$0x1] =	stream.indirect_vreg.gather [hbm4b:s1+s3], $0x80, v3, vm0, $0xb8;
	[tilespmem:$0x10100] =	vst v63  }
0x3d: {  	v3 =	vld [tilespmem:$0x30];
	_ =	sdelay $0x4  }
0x3e: {  	v51 =	vshll.u32 v3, $0x1  }
0x3f: {  	v3 =	vand.u32 $0x7, v3;
	v4 =	vand.u32 $0xFFFFFFF0, v51  }
0x40: {  	v3 =	vor.u32 v3, v4  }
0x41: {  	v4 =	vperm.xlane v3, v0;
	_ =	sdelay $0x1  }
0x42: {  	v3 =	vperm.xlane v3, v2;
	v4 =	vadd.s32 v1, v4;
	_ =	sdelay $0x1  }
0x43: {  	v3 =	vadd.s32 v1, v3;
	_ =	sdelay $0x1  }
0x44: {  	s0 =	rddreg [dreg:$0xc]  }
0x45: {  	[tilespmem:s0], [sflag:$0x1] =	stream.indirect_vreg.gather [hbm4b:s1+s3], $0x80, v4, vm0, $0xb8;
	[tilespmem:$0x10100] =	vst v63  }
0x46: {  	s7 =	rddreg [dreg:$0xd]  }
0x47: {  	[tilespmem:s7], [sflag:$0x1] =	stream.indirect_vreg.gather [hbm4b:s1+s3], $0x80, v3, vm0, $0xb8;
	[tilespmem:$0x10100] =	vst v63  }
0x48: {  	v3 =	vld [tilespmem:$0x40];
	_ =	sdelay $0x4  }
0x49: {  	v52 =	vshll.u32 v3, $0x1  }
0x4a: {  	v3 =	vand.u32 $0x7, v3;
	v4 =	vand.u32 $0xFFFFFFF0, v52  }
0x4b: {  	v3 =	vor.u32 v3, v4  }
0x4c: {  	v4 =	vperm.xlane v3, v0;
	_ =	sdelay $0x1  }
0x4d: {  	v3 =	vperm.xlane v3, v2;
	v4 =	vadd.s32 v1, v4;
	_ =	sdelay $0x1  }
0x4e: {  	v3 =	vadd.s32 v1, v3;
	_ =	sdelay $0x1  }
0x4f: {  	s7 =	rddreg [dreg:$0xe]  }
0x50: {  	[tilespmem:s7], [sflag:$0x1] =	stream.indirect_vreg.gather [hbm4b:s1+s3], $0x80, v4, vm0, $0xb8;
	[tilespmem:$0x10100] =	vst v63  }
0x51: {  	s7 =	simm.s32 $0x4900  }
0x52: {  	[tilespmem:s7], [sflag:$0x1] =	stream.indirect_vreg.gather [hbm4b:s1+s3], $0x80, v3, vm0, $0xb8;
	[tilespmem:$0x10100] =	vst v63  }
0x53: {  	v3 =	vld [tilespmem:$0x50];
	_ =	sdelay $0x4  }
0x54: {  	v53 =	vshll.u32 v3, $0x1  }
0x55: {  	v3 =	vand.u32 $0x7, v3;
	v4 =	vand.u32 $0xFFFFFFF0, v53  }
0x56: {  	v3 =	vor.u32 v3, v4  }
0x57: {  	v4 =	vperm.xlane v3, v0;
	_ =	sdelay $0x1  }
0x58: {  	v3 =	vperm.xlane v3, v2;
	v4 =	vadd.s32 v1, v4;
	_ =	sdelay $0x1  }
0x59: {  	v3 =	vadd.s32 v1, v3;
	_ =	sdelay $0x2  }
0x5a: {  	[tilespmem:s8], [sflag:$0x1] =	stream.indirect_vreg.gather [hbm4b:s1+s3], $0x80, v4, vm0, $0xb8;
	[tilespmem:$0x10100] =	vst v63  }
0x5b: {  	_ = 	snop  }
0x5c: {  	[tilespmem:s9], [sflag:$0x1] =	stream.indirect_vreg.gather [hbm4b:s1+s3], $0x80, v3, vm0, $0xb8;
	[tilespmem:$0x10100] =	vst v63  }
0x5d: {  	v3 =	vld [tilespmem:$0x60];
	_ =	sdelay $0x4  }
0x5e: {  	v54 =	vshll.u32 v3, $0x1  }
0x5f: {  	v3 =	vand.u32 $0x7, v3;
	v4 =	vand.u32 $0xFFFFFFF0, v54  }
0x60: {  	v3 =	vor.u32 v3, v4  }
0x61: {  	v4 =	vperm.xlane v3, v0;
	_ =	sdelay $0x1  }
0x62: {  	v3 =	vperm.xlane v3, v2;
	v4 =	vadd.s32 v1, v4;
	_ =	sdelay $0x1  }
0x63: {  	v3 =	vadd.s32 v1, v3;
	_ =	sdelay $0x2  }
0x64: {  	[tilespmem:s10], [sflag:$0x1] =	stream.indirect_vreg.gather [hbm4b:s1+s3], $0x80, v4, vm0, $0xb8;
	[tilespmem:$0x10100] =	vst v63  }
0x65: {  	_ = 	snop  }
0x66: {  	[tilespmem:s11], [sflag:$0x1] =	stream.indirect_vreg.gather [hbm4b:s1+s3], $0x80, v3, vm0, $0xb8;
	[tilespmem:$0x10100] =	vst v63  }
0x67: {  	v3 =	vld [tilespmem:$0x70];
	_ =	sdelay $0x4  }
0x68: {  	v55 =	vshll.u32 v3, $0x1  }
0x69: {  	v3 =	vand.u32 $0x7, v3;
	v4 =	vand.u32 $0xFFFFFFF0, v55  }
0x6a: {  	v3 =	vor.u32 v3, v4  }
0x6b: {  	v4 =	vperm.xlane v3, v0;
	_ =	sdelay $0x1  }
0x6c: {  	v3 =	vperm.xlane v3, v2;
	v4 =	vadd.s32 v1, v4;
	_ =	sdelay $0x1  }
0x6d: {  	v3 =	vadd.s32 v1, v3;
	_ =	sdelay $0x2  }
0x6e: {  	[tilespmem:s12], [sflag:$0x1] =	stream.indirect_vreg.gather [hbm4b:s1+s3], $0x80, v4, vm0, $0xb8;
	[tilespmem:$0x10100] =	vst v63  }
0x6f: {  	_ = 	snop  }
0x70: {  	[tilespmem:s13], [sflag:$0x1] =	stream.indirect_vreg.gather [hbm4b:s1+s3], $0x80, v3, vm0, $0xb8;
	[tilespmem:$0x10100] =	vst v63  }
0x71: {  	_ =	swait.ge [sflag:s14], $0x8000  }
0x72: {  	[sflag:s14] =	ssyncset.done $0x0  }
0x73: {  	s7 =	rddreg [dreg:$0x5];
	[sflag:s14] =	ssyncadd.s32 $0xFFFF8000  }
0x74: {  	[tilespmem:s15], [sflag:$0x2] =	stream.linear.gather [hbm4b:s7+s3], $0x80, $0x38;
	[tilespmem:$0x10100] =	vst v63  }
0x75: {  	_ =	swait.ge [sflag:s5], $0x80  }
0x76: {  	[sflag:s5] =	ssyncset.done $0x0  }
0x77: {  	[sflag:s5] =	ssyncadd.s32 $0xFFFFFF80  }
0x78: {  	v3 =	vld [tilespmem:$0x80];
	_ =	sdelay $0x4  }
0x79: {  	v56 =	vshll.u32 v3, $0x1  }
0x7a: {  	v3 =	vand.u32 $0x7, v3;
	v4 =	vand.u32 $0xFFFFFFF0, v56  }
0x7b: {  	v3 =	vor.u32 v3, v4  }
0x7c: {  	v4 =	vperm.xlane v3, v0;
	_ =	sdelay $0x1  }
0x7d: {  	v3 =	vperm.xlane v3, v2;
	v4 =	vadd.s32 v1, v4;
	_ =	sdelay $0x1  }
0x7e: {  	v3 =	vadd.s32 v1, v3;
	_ =	sdelay $0x2  }
0x7f: {  	[tilespmem:s16], [sflag:$0x1] =	stream.indirect_vreg.gather [hbm4b:s1+s3], $0x80, v4, vm0, $0xb8;
	[tilespmem:$0x10100] =	vst v63  }
0x80: {  	_ = 	snop  }
0x81: {  	[tilespmem:s17], [sflag:$0x1] =	stream.indirect_vreg.gather [hbm4b:s1+s3], $0x80, v3, vm0, $0xb8;
	[tilespmem:$0x10100] =	vst v63  }
0x82: {  	v3 =	vld [tilespmem:$0x90];
	_ =	sdelay $0x4  }
0x83: {  	v57 =	vshll.u32 v3, $0x1  }
0x84: {  	v3 =	vand.u32 $0x7, v3;
	v4 =	vand.u32 $0xFFFFFFF0, v57  }
0x85: {  	v3 =	vor.u32 v3, v4  }
0x86: {  	v4 =	vperm.xlane v3, v0;
	_ =	sdelay $0x1  }
0x87: {  	v3 =	vperm.xlane v3, v2;
	v4 =	vadd.s32 v1, v4;
	_ =	sdelay $0x1  }
0x88: {  	v3 =	vadd.s32 v1, v3;
	_ =	sdelay $0x2  }
0x89: {  	[tilespmem:s18], [sflag:$0x1] =	stream.indirect_vreg.gather [hbm4b:s1+s3], $0x80, v4, vm0, $0xb8;
	[tilespmem:$0x10100] =	vst v63  }
0x8a: {  	_ = 	snop  }
0x8b: {  	[tilespmem:s19], [sflag:$0x1] =	stream.indirect_vreg.gather [hbm4b:s1+s3], $0x80, v3, vm0, $0xb8;
	[tilespmem:$0x10100] =	vst v63  }
0x8c: {  	v3 =	vld [tilespmem:$0xA0];
	_ =	sdelay $0x4  }
0x8d: {  	v58 =	vshll.u32 v3, $0x1  }
0x8e: {  	v3 =	vand.u32 $0x7, v3;
	v4 =	vand.u32 $0xFFFFFFF0, v58  }
0x8f: {  	v3 =	vor.u32 v3, v4  }
0x90: {  	v4 =	vperm.xlane v3, v0;
	_ =	sdelay $0x1  }
0x91: {  	v3 =	vperm.xlane v3, v2;
	v4 =	vadd.s32 v1, v4;
	_ =	sdelay $0x1  }
0x92: {  	v3 =	vadd.s32 v1, v3;
	_ =	sdelay $0x2  }
0x93: {  	[tilespmem:s20], [sflag:$0x1] =	stream.indirect_vreg.gather [hbm4b:s1+s3], $0x80, v4, vm0, $0xb8;
	[tilespmem:$0x10100] =	vst v63  }
0x94: {  	_ = 	snop  }
0x95: {  	[tilespmem:s21], [sflag:$0x1] =	stream.indirect_vreg.gather [hbm4b:s1+s3], $0x80, v3, vm0, $0xb8;
	[tilespmem:$0x10100] =	vst v63  }
0x96: {  	v3 =	vld [tilespmem:$0xB0];
	_ =	sdelay $0x4  }
0x97: {  	v59 =	vshll.u32 v3, $0x1  }
0x98: {  	v3 =	vand.u32 $0x7, v3;
	v4 =	vand.u32 $0xFFFFFFF0, v59  }
0x99: {  	v3 =	vor.u32 v3, v4  }
0x9a: {  	v4 =	vperm.xlane v3, v0;
	_ =	sdelay $0x1  }
0x9b: {  	v3 =	vperm.xlane v3, v2;
	v4 =	vadd.s32 v1, v4;
	_ =	sdelay $0x1  }
0x9c: {  	v3 =	vadd.s32 v1, v3;
	_ =	sdelay $0x2  }
0x9d: {  	[tilespmem:s22], [sflag:$0x1] =	stream.indirect_vreg.gather [hbm4b:s1+s3], $0x80, v4, vm0, $0xb8;
	[tilespmem:$0x10100] =	vst v63  }
0x9e: {  	_ = 	snop  }
0x9f: {  	[tilespmem:s23], [sflag:$0x1] =	stream.indirect_vreg.gather [hbm4b:s1+s3], $0x80, v3, vm0, $0xb8;
	[tilespmem:$0x10100] =	vst v63  }
0xa0: {  	v3 =	vld [tilespmem:$0xC0];
	_ =	sdelay $0x4  }
0xa1: {  	v60 =	vshll.u32 v3, $0x1  }
0xa2: {  	v3 =	vand.u32 $0x7, v3;
	v4 =	vand.u32 $0xFFFFFFF0, v60  }
0xa3: {  	v3 =	vor.u32 v3, v4  }
0xa4: {  	v4 =	vperm.xlane v3, v0;
	_ =	sdelay $0x1  }
0xa5: {  	v3 =	vperm.xlane v3, v2;
	v4 =	vadd.s32 v1, v4;
	_ =	sdelay $0x1  }
0xa6: {  	v3 =	vadd.s32 v1, v3;
	_ =	sdelay $0x2  }
0xa7: {  	[tilespmem:s24], [sflag:$0x1] =	stream.indirect_vreg.gather [hbm4b:s1+s3], $0x80, v4, vm0, $0xb8;
	[tilespmem:$0x10100] =	vst v63  }
0xa8: {  	_ = 	snop  }
0xa9: {  	[tilespmem:s25], [sflag:$0x1] =	stream.indirect_vreg.gather [hbm4b:s1+s3], $0x80, v3, vm0, $0xb8;
	[tilespmem:$0x10100] =	vst v63  }
0xaa: {  	v3 =	vld [tilespmem:$0xD0];
	_ =	sdelay $0x4  }
0xab: {  	v61 =	vshll.u32 v3, $0x1  }
0xac: {  	v3 =	vand.u32 $0x7, v3;
	v4 =	vand.u32 $0xFFFFFFF0, v61  }
0xad: {  	v3 =	vor.u32 v3, v4  }
0xae: {  	v4 =	vperm.xlane v3, v0;
	_ =	sdelay $0x1  }
0xaf: {  	v3 =	vperm.xlane v3, v2;
	v4 =	vadd.s32 v1, v4;
	_ =	sdelay $0x1  }
0xb0: {  	v3 =	vadd.s32 v1, v3;
	_ =	sdelay $0x2  }
0xb1: {  	[tilespmem:s26], [sflag:$0x1] =	stream.indirect_vreg.gather [hbm4b:s1+s3], $0x80, v4, vm0, $0xb8;
	[tilespmem:$0x10100] =	vst v63  }
0xb2: {  	_ = 	snop  }
0xb3: {  	[tilespmem:s28], [sflag:$0x1] =	stream.indirect_vreg.gather [hbm4b:s1+s3], $0x80, v3, vm0, $0xb8;
	[tilespmem:$0x10100] =	vst v63  }
0xb4: {  	v3 =	vld [tilespmem:$0xE0];
	_ =	sdelay $0x4  }
0xb5: {  	v62 =	vshll.u32 v3, $0x1  }
0xb6: {  	v3 =	vand.u32 $0x7, v3;
	v4 =	vand.u32 $0xFFFFFFF0, v62  }
0xb7: {  	v3 =	vor.u32 v3, v4  }
0xb8: {  	v4 =	vperm.xlane v3, v0;
	_ =	sdelay $0x1  }
0xb9: {  	v3 =	vperm.xlane v3, v2;
	v4 =	vadd.s32 v1, v4;
	_ =	sdelay $0x1  }
0xba: {  	v3 =	vadd.s32 v1, v3;
	_ =	sdelay $0x2  }
0xbb: {  	[tilespmem:s29], [sflag:$0x1] =	stream.indirect_vreg.gather [hbm4b:s1+s3], $0x80, v4, vm0, $0xb8;
	[tilespmem:$0x10100] =	vst v63  }
0xbc: {  	_ = 	snop  }
0xbd: {  	[tilespmem:s30], [sflag:$0x1] =	stream.indirect_vreg.gather [hbm4b:s1+s3], $0x80, v3, vm0, $0xb8;
	[tilespmem:$0x10100] =	vst v63  }
0xbe: {  	v3 =	vld [tilespmem:$0xF0];
	_ =	sdelay $0x4  }
0xbf: {  	v63 =	vshll.u32 v3, $0x1  }
0xc0: {  	v3 =	vand.u32 $0x7, v3;
	v4 =	vand.u32 $0xFFFFFFF0, v63  }
0xc1: {  	v3 =	vor.u32 v3, v4  }
0xc2: {  	v4 =	vperm.xlane v3, v0;
	_ =	sdelay $0x1  }
0xc3: {  	v3 =	vperm.xlane v3, v2;
	v4 =	vadd.s32 v1, v4;
	_ =	sdelay $0x1  }
0xc4: {  	v3 =	vadd.s32 v1, v3;
	_ =	sdelay $0x2  }
0xc5: {  	[tilespmem:s31], [sflag:$0x1] =	stream.indirect_vreg.gather [hbm4b:s1+s3], $0x80, v4, vm0, $0xb8;
	[tilespmem:$0x10100] =	vst v63  }
0xc6: {  	_ = 	snop  }
0xc7: {  	[tilespmem:s2], [sflag:$0x1] =	stream.indirect_vreg.gather [hbm4b:s1+s3], $0x80, v3, vm0, $0xb8;
	[tilespmem:$0x10100] =	vst v63  }
0xc8: {  	_ =	swait.ge [sflag:s14], $0x8000  }
0xc9: {  	p0 =	sne.s32 s4, $0x1;
	[sflag:s14] =	ssyncset.done $0x0  }
.Ltmp0:
0xca: {  	s7 =	rddreg [dreg:$0x6];
	[sflag:s14] =	ssyncadd.s32 $0xFFFF8000;
	(pc) =	sbr.rel @p0 .LBB2_1-.Ltmp0, $4  }
0xcb: {  	[hbm4b:s7+s3] =	stream.linear.scatter [tilespmem:s6], [sflag:$0x2], $0x10000, $0x38;
	[tilespmem:$0x10100] =	vst v63  }
0xcc: {  	_ =	swait.ge [sflag:s5], $0x10000  }
0xcd: {  	[sflag:s5] =	ssyncset.done $0x0  }
0xce: {  	s4 =	sadd.s32 $0xFFFFFFFF, s4;
	[sflag:s5] =	ssyncadd.s32 $0xFFFF0000  }
0xcf: {  	_ =	sfence.sel $0x180000  }
0xd0: {  	[bflag:$0x0] =	sbarrier.arrive $0xFFFF  }
0xd1: {  	_ =	strace $0x90000047  }
0xd2: {  	s0 =	stileid.u32;
	[bflag:$0x2] =	sbarrier.arrive $0xFFFF  }
0xd3: {  	p0 =	sne.s32 s0, $0x0;
	s0 =	rddreg [dreg:$0x3]  }
0xd4: {  	s0 =	sadd.s32 @!p0 $0x100000, s0  }
0xd5: {  	[sflag:s0] =	ssyncadd.tile.s32 @!p0 $0x1;
	_ =	shalt  }
.Lfunc_end2:
_tile_overlayer_lowered:
.L_overlay_start_2:
0xd6: {  	(tag) =	ssettag $0x2  }
0xd7: {  	s0 =	rddreg [dreg:$0x0];
	s2 =	stileid.u32  }
0xd8: {  	s1 =	rddreg [dreg:$0x1];
	p0 =	sne.s32 s2, $0x0  }
0xd9: {  	s3 =	rddreg [dreg:$0x2];
	[bflag:$0x3] =	sbarrier.arrive $0xFFFF;
	s2 =	simm.s32 @!p0 $0x1C02  }
0xda: {  	[timem:s3], [sflag:s2] =	dma.local @!p0 [hbm:s0], s1  }
0xdb: {  	s0 =	simm.s32 @!p0 $0x2  }
0xdc: {  	_ =	swait.ge @!p0 [sflag:s0], s1  }
0xdd: {  	s1 =	ssub.s32 @!p0 $0x0, s1;
	[sflag:s0] =	ssyncset.done @!p0 $0x0  }
0xde: {  	[sflag:s0] =	ssyncadd.s32 @!p0 s1  }
0xdf: {  	[bflag:$0x3] =	sbarrier.arrive $0xFFFF  }
0xe0: {  	_ =	shalt  }

</sc_bundles>
